<compile_context>
chip_gen: v7x
topology: tpu7x:2x2x1
jax: 0.10.2.dev20260603
libtpu: 0.0.44.dev20260713+nightly
codegen_flags: <defaults>
</compile_context>

<pallas_src>
import functools

import numpy as np
import jax
import jax.numpy as jnp
from jax import lax
from jax.experimental import pallas as pl
from jax.experimental.pallas import tpu as pltpu
from jax.experimental.pallas import tpu_sc as plsc

_MARGIN = 0.15
_N = 512
_NCLS = 32
_NEG_BIG = -1.0e30

def _dot(a, b, dims):
    return lax.dot_general(a, b, (dims, ((), ())),
                           precision=lax.Precision.HIGHEST,
                           preferred_element_type=jnp.float32)


def _tc_mine(x_ref, t_ref, hb_ref, lb_ref, packed_ref, csort_ref):
    n, ncls = _N, _NCLS
    x = x_ref[...]
    t_row = t_ref[...].reshape(1, n)
    hb = hb_ref[...]
    lb = lb_ref[...]

    nrm = jnp.sqrt(jnp.sum(x * x, axis=1, keepdims=True))
    xn = x / jnp.maximum(nrm, 1e-8)

    rows = lax.broadcasted_iota(jnp.int32, (n, n), 0)
    cols = lax.broadcasted_iota(jnp.int32, (n, n), 1)
    ccols = lax.broadcasted_iota(jnp.int32, (n, ncls), 1)
    cvals = lax.broadcasted_iota(jnp.int32, (ncls, 1), 0).astype(jnp.float32)

    crow32 = lax.broadcasted_iota(jnp.int32, (ncls, n), 0)
    ST = (t_row == crow32).astype(jnp.float32)
    t = _dot(ST, cvals, ((0,), (0,))).astype(jnp.int32)

    S = (t == ccols).astype(jnp.float32)
    ones_col = jnp.ones((n, 1), jnp.float32)
    cnt_col = _dot(S, ones_col, ((0,), (0,)))
    Ltri = (cols < rows).astype(jnp.float32)
    pref = _dot(Ltri, S, ((1,), (0,)))
    rc = jnp.sum(pref * S, axis=1, keepdims=True)

    a32 = lax.broadcasted_iota(jnp.int32, (ncls, ncls), 0)
    b32 = lax.broadcasted_iota(jnp.int32, (ncls, ncls), 1)
    Ltri32 = (b32 < a32).astype(jnp.float32)
    start_col = _dot(Ltri32, cnt_col, ((1,), (0,)))

    start_i = _dot(S, start_col, ((1,), (0,)))
    sortpos = (start_i + rc).astype(jnp.int32)
    Pm = (cols == sortpos).astype(jnp.float32)
    xnsort = _dot(Pm, xn, ((0,), (0,)))
    Csort = _dot(xn, xnsort, ((1,), (1,)))
    SHsort = _dot(Pm, S, ((0,), (0,)))
    pref_sorted = _dot(Pm, pref, ((0,), (0,)))

    tsort_row = _dot(cvals, SHsort, ((0,), (1,)))
    startsort_row = _dot(start_col, SHsort, ((0,), (1,)))
    iota_row = lax.broadcasted_iota(jnp.int32, (1, n), 1).astype(jnp.float32)
    rc_sorted_row = iota_row - startsort_row

    absd32 = jnp.abs(a32 - b32)
    U = jnp.zeros((ncls, ncls), jnp.float32)
    for bp in range(ncls):
        msk = (jnp.abs(a32 - bp) > absd32).astype(jnp.float32)
        U = U + msk * cnt_col[bp, 0]

    B = jnp.zeros((n, ncls), jnp.float32)
    for a in range(ncls):
        m3a = (a32 == 2 * b32 - a).astype(jnp.float32)
        term = _dot(pref_sorted, m3a, ((1,), (0,)))
        B = B + SHsort[:, a:a + 1] * term

    L1 = jnp.concatenate([_dot(S, U, ((1,), (0,))), S], axis=1)
    R1 = jnp.concatenate([SHsort, B], axis=1)
    rank = (_dot(L1, R1, ((1,), (1,))) + rc_sorted_row).astype(jnp.int32)

    cnt_i = _dot(S, cnt_col, ((1,), (0,)))
    rci = rc.astype(jnp.int32)
    nneg = (jnp.float32(n) - cnt_i).astype(jnp.int32)
    npos = cnt_i.astype(jnp.int32) - rci - 1
    n_negs = lax.shift_right_logical(9 * nneg * 6554, 16)
    include = (npos > 0) & (nneg > 0)
    case_a = npos < nneg
    big = case_a & (n_negs > npos)
    span = jnp.maximum(npos, 1)

    inv_s = 1.0 / span.astype(jnp.float32)

    def fmod(z):
        q = jnp.floor(z.astype(jnp.float32) * inv_s).astype(jnp.int32)
        r = z - q * span
        r = jnp.where(r < 0, r + span, r)
        return jnp.where(r >= span, r - span, r)

    m16 = fmod(jnp.full((n, 1), 65536, jnp.int32))
    mult = fmod(m16 * m16)

    def resid(bits):
        h = lax.shift_right_logical(bits, 16)
        l = bits & 0xFFFF
        hm = h * m16
        hh = lax.shift_right_logical(hm, 16)
        hl = hm & 0xFFFF
        return hh * m16 + hl + l

    sel = fmod(fmod(resid(hb)) * mult + resid(lb))

    pos_rank = jnp.where(big, sel, cols)
    selcol = jnp.clip(sortpos + 1 + pos_rank, 0, n - 1)

    tneg = tsort_row.astype(jnp.int32) != t
    valid = tneg & include & (rank < n_negs)

    combo = jnp.clip(rank, 0, n - 1) + jnp.where(valid, 0, 2048)
    packed_ref[...] = combo + selcol * 4096
    csort_ref[...] = Csort


def _sc_reduce(packed_hbm, csort_hbm, out_hbm,
               packed_v, csort_v, acc_v, sem):
    nc = 2
    wid = lax.axis_index("s") * nc + lax.axis_index("c")
    rows_per = _N // 32
    base = wid * rows_per

    c1 = pltpu.async_copy(packed_hbm.at[pl.ds(base, rows_per)], packed_v, sem)
    c2 = pltpu.async_copy(csort_hbm.at[pl.ds(base, rows_per)], csort_v, sem)
    c1.wait(); c2.wait()

    def chunk(k, acc):
        a = k // 32
        j0 = (k - a * 32) * 16
        av = jnp.full((16,), a, jnp.int32)
        w = packed_v[a, pl.ds(j0, 16)]
        rv = w & 511
        wsel = plsc.load_gather(packed_v, [av, rv])
        col1 = lax.shift_right_logical(wsel, 12)
        posv = plsc.load_gather(csort_v, [av, col1])
        negv = csort_v[a, pl.ds(j0, 16)]
        hinge = jnp.maximum(negv - posv + _MARGIN, 0.0)
        return acc + jnp.where((w & 2048) == 0, hinge, 0.0)

    acc = lax.fori_loop(0, rows_per * 32, chunk, jnp.zeros((16,), jnp.float32),
                        unroll=8)
    acc_v[...] = acc
    pltpu.sync_copy(acc_v, out_hbm.at[pl.ds(wid * 16, 16)])


def _tf2x32(k1, k2, x0, x1):
    rot = lambda x, d: (x << np.uint32(d)) | (x >> np.uint32(32 - d))
    ks0 = np.asarray(k1, np.uint32)
    ks1 = np.asarray(k2, np.uint32)
    ks2 = ks0 ^ ks1 ^ np.uint32(0x1BD11BDA)
    x0 = x0.astype(np.uint32) + ks0
    x1 = x1.astype(np.uint32) + ks1
    rots = [(13, 15, 26, 6), (17, 29, 16, 24)]
    sched = [(ks1, ks2, 1), (ks2, ks0, 2), (ks0, ks1, 3),
             (ks1, ks2, 4), (ks2, ks0, 5)]
    for gi, (a, b, c) in enumerate(sched):
        for r in rots[gi % 2]:
            x0 = x0 + x1
            x1 = rot(x1, r)
            x1 = x1 ^ x0
        x0 = x0 + a
        x1 = x1 + b + np.uint32(c)
    return x0, x1


def _gen_bits_np(n):
    iota = np.arange(n, dtype=np.uint32)
    zeros = np.zeros((n,), np.uint32)
    fk1, fk2 = _tf2x32(0, 42, zeros, iota)
    s10, s20 = _tf2x32(fk1, fk2, zeros, zeros)
    s11, s21 = _tf2x32(fk1, fk2, zeros, zeros + 1)
    z2 = np.zeros((n, n), np.uint32)
    i2 = np.broadcast_to(iota[None, :], (n, n))
    h1, h2 = _tf2x32(s10[:, None], s20[:, None], z2, i2)
    l1, l2 = _tf2x32(s11[:, None], s21[:, None], z2, i2)
    return ((h1 ^ h2).view(np.int32), (l1 ^ l2).view(np.int32))


_HB_np, _LB_np = _gen_bits_np(_N)


@jax.jit
def kernel(samples, targets):
    n = _N
    t = targets.astype(jnp.int32)
    hb = jnp.asarray(_HB_np)
    lb = jnp.asarray(_LB_np)

    packed, csort = pl.pallas_call(
        _tc_mine,
        out_shape=[
            jax.ShapeDtypeStruct((n, n), jnp.int32),
            jax.ShapeDtypeStruct((n, n), jnp.float32),
        ],
    )(samples, t, hb, lb)

    mesh = plsc.VectorSubcoreMesh(core_axis_name="c", subcore_axis_name="s")
    rows_per = n // 32
    partial = pl.kernel(
        _sc_reduce,
        out_type=jax.ShapeDtypeStruct((n,), jnp.float32),
        mesh=mesh,
        compiler_params=pltpu.CompilerParams(needs_layout_passes=False),
        scratch_types=[
            pltpu.VMEM((rows_per, n), jnp.int32),
            pltpu.VMEM((rows_per, n), jnp.float32),
            pltpu.VMEM((16,), jnp.float32),
            pltpu.SemaphoreType.DMA,
        ],
    )(packed, csort)

    return jnp.sum(partial)

# --- scband reference (transcript-rebuilt; emitter-appended) ---
"""Pipeline reference for scband-batch-wise-triplet-distance-loss-29231547417152 (READ-ONLY COPY).

The authoritative reference and input builder live on the scoring server;
editing this copy changes nothing except your own understanding.
"""

import jax, jax.numpy as jnp
import numpy as np

MARGIN = 0.15


def _get_combinations(i, idx):
    it = jnp.full(idx.shape, i, dtype=idx.dtype)
    return jnp.stack([it, idx], axis=1)


def _build_groups(targets):
    # Mirrors the torch mining loop. All control flow depends only on the
    # (concrete) integer targets, so it runs eagerly outside any trace.
    n = targets.shape[0]
    eyes = jnp.eye(n, dtype=bool)
    pos_mask = targets[:, None] == targets[None, :]
    neg_mask = ~pos_mask
    pos_mask = pos_mask & (~eyes)
    pos_groups, neg_groups = [], []
    base_key = jax.random.key(42)
    for i in range(n):
        pos_pair_idx = jnp.nonzero(pos_mask[i, i:])[0]
        if pos_pair_idx.shape[0] == 0:
            continue
        pos_comb = _get_combinations(i, pos_pair_idx + i)
        neg_pair_idx = jnp.nonzero(neg_mask[i, :])[0]
        if pos_comb.shape[0] > 0 and neg_pair_idx.shape[0] > 0:
            neg_comb = _get_combinations(i, neg_pair_idx)
            if pos_comb.shape[0] < neg_comb.shape[0]:
                neg_td = targets[neg_comb[:, 0]] - targets[neg_comb[:, 1]]
                order = jnp.argsort(-jnp.abs(neg_td))
                n_negs = int(0.9 * neg_comb.shape[0])
                neg_comb = neg_comb[order][:n_negs]
                if n_negs > pos_comb.shape[0]:
                    k = jax.random.fold_in(base_key, i)
                    sel = jax.random.randint(k, (n_negs,), 0, pos_comb.shape[0])
                    pos_comb = pos_comb[sel]
            elif neg_comb.shape[0] < 1:
                continue
            elif neg_comb.shape[0] < pos_comb.shape[0]:
                k = jax.random.fold_in(base_key, i)
                sel = jax.random.randint(k, (pos_comb.shape[0],), 0, neg_comb.shape[0])
                neg_comb = neg_comb[sel]
            neg_groups.append(neg_comb)
            pos_groups.append(pos_comb)
    pos_groups = jnp.concatenate(pos_groups, axis=0)
    neg_groups = jnp.concatenate(neg_groups, axis=0)
    assert bool(jnp.all(pos_groups[:, 0] == neg_groups[:, 0]))
    return pos_groups, neg_groups


def _cosine_distance(x, y):
    eps = 1e-8
    xn = x / jnp.maximum(jnp.linalg.norm(x, axis=-1, keepdims=True), eps)
    yn = y / jnp.maximum(jnp.linalg.norm(y, axis=-1, keepdims=True), eps)
    return 1.0 - jnp.sum(xn * yn, axis=-1)


def setup_inputs(seed: int = 0) -> dict:
    key = jax.random.key(seed)
    k1, k2 = jax.random.split(key)
    samples = jax.random.normal(k1, (512, 128), dtype=jnp.float32)
    targets = jax.random.randint(k2, (512,), 0, 32).astype(jnp.int64)
    return {"samples": samples, "targets": targets}


def reference(samples, targets):
    n = targets.shape[0]
    idx = jnp.arange(n)
    eye = jnp.eye(n, dtype=bool)
    pos_full = (targets[:, None] == targets[None, :]) & (~eye)
    upper = idx[None, :] >= idx[:, None]
    posm = pos_full & upper
    negm = targets[:, None] != targets[None, :]
    base_key = jax.random.key(42)

    def per_anchor(i, pm, nm):
        npos = jnp.sum(pm)
        nneg = jnp.sum(nm)
        include = (npos > 0) & (nneg > 0)
        pos_compact = jnp.argsort(~pm)
        neg_asc = jnp.argsort(~nm)
        td = jnp.abs(targets[i] - targets).astype(jnp.float32)
        sort_keys = jnp.where(nm, -td, jnp.inf)
        neg_sorted = jnp.argsort(sort_keys)
        n_negs = (9 * nneg) // 10
        case_a = npos < nneg
        big = case_a & (n_negs > npos)
        case_b = (~case_a) & (nneg < npos)
        k = jax.random.fold_in(base_key, i)
        sel_pos = jax.random.randint(k, (n,), 0, jnp.maximum(npos, 1))
        sel_neg = jax.random.randint(k, (n,), 0, jnp.maximum(nneg, 1))
        group_size = jnp.where(case_a, n_negs, npos)
        valid = include & (idx < group_size)
        pos_j = jnp.where(big, pos_compact[sel_pos], pos_compact)
        neg_j = jnp.where(case_a, neg_sorted, jnp.where(case_b, neg_asc[sel_neg], neg_asc))
        return pos_j, neg_j, valid

    pos_j, neg_j, valid = jax.vmap(per_anchor)(idx, posm, negm)
    anchor_idx = jnp.broadcast_to(idx[:, None], (n, n))
    anchor = samples[anchor_idx]
    positive = samples[pos_j]
    negative = samples[neg_j]
    d_ap = _cosine_distance(anchor, positive)
    d_an = _cosine_distance(anchor, negative)
    per_pair = jnp.maximum(d_ap - d_an + MARGIN, 0.0)
    return jnp.sum(jnp.where(valid, per_pair, 0.0))

if __name__ == "__main__":
    import jax
    _d = setup_inputs()
    print(jax.jit(kernel)(*tuple(_d.values())))

</pallas_src>

<mosaic_0001>
#map = affine_map<(d0, d1) -> (0, 0)>
#map1 = affine_map<(d0, d1) -> (0)>
module attributes {stable_mosaic.version = 14 : i64} {
  func.func @_sc_reduce(%arg0: i32, %arg1: i32, %arg2: memref<512x512xi32, #tpu.memory_space<hbm>>, %arg3: memref<512x512xf32, #tpu.memory_space<hbm>>, %arg4: memref<512xf32, #tpu.memory_space<hbm>>, %arg5: memref<16x512xi32, #tpu.memory_space<vmem>>, %arg6: memref<16x512xf32, #tpu.memory_space<vmem>>, %arg7: memref<16xf32, #tpu.memory_space<vmem>>, %arg8: memref<!tpu.dma_semaphore, #tpu.memory_space<semaphore_mem>>) attributes {dimension_semantics = [#tpu.dimension_semantics<core_parallel>, #tpu.dimension_semantics<subcore_parallel>], iteration_bounds = array<i64: 2, 16>, scalar_prefetch = 0 : i64, scratch_operands = 4 : i64, tpu.core_type = #tpu.core_type<sc_vector_subcore>, window_params = [{transform_indices = #map}, {transform_indices = #map}, {transform_indices = #map1}]} {
    %mul3A = arith.constant 2 : i32
    %mul3A_0 = arith.muli %arg1, %mul3A : i32
    %add3A = arith.addi %mul3A_0, %arg0 : i32
    %mul3A_1 = arith.constant 16 : i32
    %mul3A_2 = arith.muli %add3A, %mul3A_1 : i32
    %dma_start3A = arith.constant 0 : i32
    %dma_start3A_3 = tpu.memref_slice %arg2[%mul3A_2, %dma_start3A] : memref<512x512xi32, #tpu.memory_space<hbm>> -> memref<16x512xi32, #tpu.memory_space<hbm>>
    %dma_start3A_4 = arith.constant 0 : i32
    %dma_start3A_5 = tpu.memref_slice %arg2[%mul3A_2, %dma_start3A_4] : memref<512x512xi32, #tpu.memory_space<hbm>> -> memref<16x512xi32, #tpu.memory_space<hbm>>
    tpu.enqueue_dma source(%dma_start3A_5 : memref<16x512xi32, #tpu.memory_space<hbm>>) target(%arg5 : memref<16x512xi32, #tpu.memory_space<vmem>>) target_semaphore(%arg8 : memref<!tpu.dma_semaphore, #tpu.memory_space<semaphore_mem>>)
    %dma_start3A_6 = arith.constant 0 : i32
    %dma_start3A_7 = tpu.memref_slice %arg3[%mul3A_2, %dma_start3A_6] : memref<512x512xf32, #tpu.memory_space<hbm>> -> memref<16x512xf32, #tpu.memory_space<hbm>>
    %dma_start3A_8 = arith.constant 0 : i32
    %dma_start3A_9 = tpu.memref_slice %arg3[%mul3A_2, %dma_start3A_8] : memref<512x512xf32, #tpu.memory_space<hbm>> -> memref<16x512xf32, #tpu.memory_space<hbm>>
    tpu.enqueue_dma source(%dma_start3A_9 : memref<16x512xf32, #tpu.memory_space<hbm>>) target(%arg6 : memref<16x512xf32, #tpu.memory_space<vmem>>) target_semaphore(%arg8 : memref<!tpu.dma_semaphore, #tpu.memory_space<semaphore_mem>>)
    %dma_wait3A = arith.constant 0 : i32
    %dma_wait3A_10 = tpu.memref_slice %arg2[%mul3A_2, %dma_wait3A] : memref<512x512xi32, #tpu.memory_space<hbm>> -> memref<16x512xi32, #tpu.memory_space<hbm>>
    %dma_wait3A_11 = arith.constant 0 : i32
    %dma_wait3A_12 = tpu.memref_slice %arg2[%mul3A_2, %dma_wait3A_11] : memref<512x512xi32, #tpu.memory_space<hbm>> -> memref<16x512xi32, #tpu.memory_space<hbm>>
    tpu.wait_dma2 semaphore(%arg8 : memref<!tpu.dma_semaphore, #tpu.memory_space<semaphore_mem>>) src(%dma_wait3A_12 : memref<16x512xi32, #tpu.memory_space<hbm>>) dst(%arg5 : memref<16x512xi32, #tpu.memory_space<vmem>>)
    %dma_wait3A_13 = arith.constant 0 : i32
    %dma_wait3A_14 = tpu.memref_slice %arg3[%mul3A_2, %dma_wait3A_13] : memref<512x512xf32, #tpu.memory_space<hbm>> -> memref<16x512xf32, #tpu.memory_space<hbm>>
    %dma_wait3A_15 = arith.constant 0 : i32
    %dma_wait3A_16 = tpu.memref_slice %arg3[%mul3A_2, %dma_wait3A_15] : memref<512x512xf32, #tpu.memory_space<hbm>> -> memref<16x512xf32, #tpu.memory_space<hbm>>
    tpu.wait_dma2 semaphore(%arg8 : memref<!tpu.dma_semaphore, #tpu.memory_space<semaphore_mem>>) src(%dma_wait3A_16 : memref<16x512xf32, #tpu.memory_space<hbm>>) dst(%arg6 : memref<16x512xf32, #tpu.memory_space<vmem>>)
    %broadcast_in_dim3A = arith.constant 0.000000e+00 : f32
    %broadcast_in_dim3A_17 = vector.broadcast %broadcast_in_dim3A : f32 to vector<16xf32>
    %scan3A = arith.constant 0 : i32
    %scan3A_18 = arith.constant 512 : i32
    %scan3A_19 = arith.addi %scan3A, %scan3A_18 : i32
    %scan3A_20 = arith.constant 8 : i32
    %scan3A_21 = scf.for %scan3A_26 = %scan3A to %scan3A_19 step %scan3A_20 iter_args(%scan3A_27 = %broadcast_in_dim3A_17) -> (vector<16xf32>)  : i32 {
      %jit3A = arith.constant 32 : i32
      %div3A = arith.divsi %scan3A_26, %jit3A : i32
      %sign3A = arith.constant 0 : i32
      %sign3A_28 = arith.cmpi sgt, %scan3A_26, %sign3A : i32
      %sign3A_29 = arith.extui %sign3A_28 : i1 to i32
      %sign3A_30 = arith.constant 0 : i32
      %sign3A_31 = arith.cmpi slt, %scan3A_26, %sign3A_30 : i32
      %sign3A_32 = arith.extui %sign3A_31 : i1 to i32
      %sign3A_33 = arith.subi %sign3A_29, %sign3A_32 : i32
      %sign3A_34 = arith.constant 0 : i32
      %sign3A_35 = arith.cmpi sgt, %jit3A, %sign3A_34 : i32
      %sign3A_36 = arith.extui %sign3A_35 : i1 to i32
      %sign3A_37 = arith.constant 0 : i32
      %sign3A_38 = arith.cmpi slt, %jit3A, %sign3A_37 : i32
      %sign3A_39 = arith.extui %sign3A_38 : i1 to i32
      %sign3A_40 = arith.subi %sign3A_36, %sign3A_39 : i32
      %ne3A = arith.cmpi ne, %sign3A_33, %sign3A_40 : i32
      %rem3A = arith.remsi %scan3A_26, %jit3A : i32
      %ne3A_41 = arith.constant 0 : i32
      %ne3A_42 = arith.cmpi ne, %rem3A, %ne3A_41 : i32
      %and3A = arith.andi %ne3A, %ne3A_42 : i1
      %sub3A = arith.constant 1 : i32
      %sub3A_43 = arith.subi %div3A, %sub3A : i32
      %select_n3A = arith.select %and3A, %sub3A_43, %div3A : i32
      %mul3A_44 = arith.constant 32 : i32
      %mul3A_45 = arith.muli %select_n3A, %mul3A_44 : i32
      %sub3A_46 = arith.subi %scan3A_26, %mul3A_45 : i32
      %mul3A_47 = arith.constant 16 : i32
      %mul3A_48 = arith.muli %sub3A_46, %mul3A_47 : i32
      %broadcast_in_dim3A_49 = vector.broadcast %select_n3A : i32 to vector<16xi32>
      %get3A = arith.index_cast %select_n3A : i32 to index
      %get3A_50 = arith.index_cast %mul3A_48 : i32 to index
      %get3A_51 = tpu.vector_load %arg5[%get3A, %get3A_50] {strides = array<i32>} : memref<16x512xi32, #tpu.memory_space<vmem>>, vector<16xi32>,
      %and3A_52 = arith.constant 511 : i32
      %and3A_53 = vector.broadcast %and3A_52 : i32 to vector<16xi32>
      %and3A_54 = arith.andi %get3A_51, %and3A_53 : vector<16xi32>
      %gather3A = tpu.vector_load_idx %arg5[%broadcast_in_dim3A_49, %and3A_54] : memref<16x512xi32, #tpu.memory_space<vmem>>[vector<16xi32>, vector<16xi32>], vector<16xi32>,
      %shift_right_logical3A = arith.constant 12 : i32
      %shift_right_logical3A_55 = vector.broadcast %shift_right_logical3A : i32 to vector<16xi32>
      %shift_right_logical3A_56 = arith.shrui %gather3A, %shift_right_logical3A_55 : vector<16xi32>
      %gather3A_57 = tpu.vector_load_idx %arg6[%broadcast_in_dim3A_49, %shift_right_logical3A_56] : memref<16x512xf32, #tpu.memory_space<vmem>>[vector<16xi32>, vector<16xi32>], vector<16xf32>,
      %get3A_58 = arith.index_cast %select_n3A : i32 to index
      %get3A_59 = arith.index_cast %mul3A_48 : i32 to index
      %get3A_60 = tpu.vector_load %arg6[%get3A_58, %get3A_59] {strides = array<i32>} : memref<16x512xf32, #tpu.memory_space<vmem>>, vector<16xf32>,
      %sub3A_61 = arith.subf %get3A_60, %gather3A_57 : vector<16xf32>
      %add3A_62 = arith.constant 1.500000e-01 : f32
      %add3A_63 = vector.broadcast %add3A_62 : f32 to vector<16xf32>
      %add3A_64 = arith.addf %sub3A_61, %add3A_63 : vector<16xf32>
      %max3A = arith.constant 0.000000e+00 : f32
      %max3A_65 = vector.broadcast %max3A : f32 to vector<16xf32>
      %max3A_66 = arith.maximumf %add3A_64, %max3A_65 : vector<16xf32>
      %and3A_67 = arith.constant 2048 : i32
      %and3A_68 = vector.broadcast %and3A_67 : i32 to vector<16xi32>
      %and3A_69 = arith.andi %get3A_51, %and3A_68 : vector<16xi32>
      %eq3A = arith.constant 0 : i32
      %eq3A_70 = vector.broadcast %eq3A : i32 to vector<16xi32>
      %eq3A_71 = arith.cmpi eq, %and3A_69, %eq3A_70 : vector<16xi32>
      %jit3A_72 = arith.constant 0.000000e+00 : f32
      %broadcast_in_dim3A_73 = vector.broadcast %jit3A_72 : f32 to vector<16xf32>
      %select_n3A_74 = arith.select %eq3A_71, %max3A_66, %broadcast_in_dim3A_73 : vector<16xi1>, vector<16xf32>
      %add3A_75 = arith.addf %scan3A_27, %select_n3A_74 : vector<16xf32>
      %scan3A_76 = arith.constant 1 : i32
      %scan3A_77 = arith.addi %scan3A_26, %scan3A_76 : i32
      %jit3A_78 = arith.constant 32 : i32
      %div3A_79 = arith.divsi %scan3A_77, %jit3A_78 : i32
      %sign3A_80 = arith.constant 0 : i32
      %sign3A_81 = arith.cmpi sgt, %scan3A_77, %sign3A_80 : i32
      %sign3A_82 = arith.extui %sign3A_81 : i1 to i32
      %sign3A_83 = arith.constant 0 : i32
      %sign3A_84 = arith.cmpi slt, %scan3A_77, %sign3A_83 : i32
      %sign3A_85 = arith.extui %sign3A_84 : i1 to i32
      %sign3A_86 = arith.subi %sign3A_82, %sign3A_85 : i32
      %sign3A_87 = arith.constant 0 : i32
      %sign3A_88 = arith.cmpi sgt, %jit3A_78, %sign3A_87 : i32
      %sign3A_89 = arith.extui %sign3A_88 : i1 to i32
      %sign3A_90 = arith.constant 0 : i32
      %sign3A_91 = arith.cmpi slt, %jit3A_78, %sign3A_90 : i32
      %sign3A_92 = arith.extui %sign3A_91 : i1 to i32
      %sign3A_93 = arith.subi %sign3A_89, %sign3A_92 : i32
      %ne3A_94 = arith.cmpi ne, %sign3A_86, %sign3A_93 : i32
      %rem3A_95 = arith.remsi %scan3A_77, %jit3A_78 : i32
      %ne3A_96 = arith.constant 0 : i32
      %ne3A_97 = arith.cmpi ne, %rem3A_95, %ne3A_96 : i32
      %and3A_98 = arith.andi %ne3A_94, %ne3A_97 : i1
      %sub3A_99 = arith.constant 1 : i32
      %sub3A_100 = arith.subi %div3A_79, %sub3A_99 : i32
      %select_n3A_101 = arith.select %and3A_98, %sub3A_100, %div3A_79 : i32
      %mul3A_102 = arith.constant 32 : i32
      %mul3A_103 = arith.muli %select_n3A_101, %mul3A_102 : i32
      %sub3A_104 = arith.subi %scan3A_77, %mul3A_103 : i32
      %mul3A_105 = arith.constant 16 : i32
      %mul3A_106 = arith.muli %sub3A_104, %mul3A_105 : i32
      %broadcast_in_dim3A_107 = vector.broadcast %select_n3A_101 : i32 to vector<16xi32>
      %get3A_108 = arith.index_cast %select_n3A_101 : i32 to index
      %get3A_109 = arith.index_cast %mul3A_106 : i32 to index
      %get3A_110 = tpu.vector_load %arg5[%get3A_108, %get3A_109] {strides = array<i32>} : memref<16x512xi32, #tpu.memory_space<vmem>>, vector<16xi32>,
      %and3A_111 = arith.constant 511 : i32
      %and3A_112 = vector.broadcast %and3A_111 : i32 to vector<16xi32>
      %and3A_113 = arith.andi %get3A_110, %and3A_112 : vector<16xi32>
      %gather3A_114 = tpu.vector_load_idx %arg5[%broadcast_in_dim3A_107, %and3A_113] : memref<16x512xi32, #tpu.memory_space<vmem>>[vector<16xi32>, vector<16xi32>], vector<16xi32>,
      %shift_right_logical3A_115 = arith.constant 12 : i32
      %shift_right_logical3A_116 = vector.broadcast %shift_right_logical3A_115 : i32 to vector<16xi32>
      %shift_right_logical3A_117 = arith.shrui %gather3A_114, %shift_right_logical3A_116 : vector<16xi32>
      %gather3A_118 = tpu.vector_load_idx %arg6[%broadcast_in_dim3A_107, %shift_right_logical3A_117] : memref<16x512xf32, #tpu.memory_space<vmem>>[vector<16xi32>, vector<16xi32>], vector<16xf32>,
      %get3A_119 = arith.index_cast %select_n3A_101 : i32 to index
      %get3A_120 = arith.index_cast %mul3A_106 : i32 to index
      %get3A_121 = tpu.vector_load %arg6[%get3A_119, %get3A_120] {strides = array<i32>} : memref<16x512xf32, #tpu.memory_space<vmem>>, vector<16xf32>,
      %sub3A_122 = arith.subf %get3A_121, %gather3A_118 : vector<16xf32>
      %add3A_123 = arith.constant 1.500000e-01 : f32
      %add3A_124 = vector.broadcast %add3A_123 : f32 to vector<16xf32>
      %add3A_125 = arith.addf %sub3A_122, %add3A_124 : vector<16xf32>
      %max3A_126 = arith.constant 0.000000e+00 : f32
      %max3A_127 = vector.broadcast %max3A_126 : f32 to vector<16xf32>
      %max3A_128 = arith.maximumf %add3A_125, %max3A_127 : vector<16xf32>
      %and3A_129 = arith.constant 2048 : i32
      %and3A_130 = vector.broadcast %and3A_129 : i32 to vector<16xi32>
      %and3A_131 = arith.andi %get3A_110, %and3A_130 : vector<16xi32>
      %eq3A_132 = arith.constant 0 : i32
      %eq3A_133 = vector.broadcast %eq3A_132 : i32 to vector<16xi32>
      %eq3A_134 = arith.cmpi eq, %and3A_131, %eq3A_133 : vector<16xi32>
      %jit3A_135 = arith.constant 0.000000e+00 : f32
      %broadcast_in_dim3A_136 = vector.broadcast %jit3A_135 : f32 to vector<16xf32>
      %select_n3A_137 = arith.select %eq3A_134, %max3A_128, %broadcast_in_dim3A_136 : vector<16xi1>, vector<16xf32>
      %add3A_138 = arith.addf %add3A_75, %select_n3A_137 : vector<16xf32>
      %scan3A_139 = arith.constant 2 : i32
      %scan3A_140 = arith.addi %scan3A_26, %scan3A_139 : i32
      %jit3A_141 = arith.constant 32 : i32
      %div3A_142 = arith.divsi %scan3A_140, %jit3A_141 : i32
      %sign3A_143 = arith.constant 0 : i32
      %sign3A_144 = arith.cmpi sgt, %scan3A_140, %sign3A_143 : i32
      %sign3A_145 = arith.extui %sign3A_144 : i1 to i32
      %sign3A_146 = arith.constant 0 : i32
      %sign3A_147 = arith.cmpi slt, %scan3A_140, %sign3A_146 : i32
      %sign3A_148 = arith.extui %sign3A_147 : i1 to i32
      %sign3A_149 = arith.subi %sign3A_145, %sign3A_148 : i32
      %sign3A_150 = arith.constant 0 : i32
      %sign3A_151 = arith.cmpi sgt, %jit3A_141, %sign3A_150 : i32
      %sign3A_152 = arith.extui %sign3A_151 : i1 to i32
      %sign3A_153 = arith.constant 0 : i32
      %sign3A_154 = arith.cmpi slt, %jit3A_141, %sign3A_153 : i32
      %sign3A_155 = arith.extui %sign3A_154 : i1 to i32
      %sign3A_156 = arith.subi %sign3A_152, %sign3A_155 : i32
      %ne3A_157 = arith.cmpi ne, %sign3A_149, %sign3A_156 : i32
      %rem3A_158 = arith.remsi %scan3A_140, %jit3A_141 : i32
      %ne3A_159 = arith.constant 0 : i32
      %ne3A_160 = arith.cmpi ne, %rem3A_158, %ne3A_159 : i32
      %and3A_161 = arith.andi %ne3A_157, %ne3A_160 : i1
      %sub3A_162 = arith.constant 1 : i32
      %sub3A_163 = arith.subi %div3A_142, %sub3A_162 : i32
      %select_n3A_164 = arith.select %and3A_161, %sub3A_163, %div3A_142 : i32
      %mul3A_165 = arith.constant 32 : i32
      %mul3A_166 = arith.muli %select_n3A_164, %mul3A_165 : i32
      %sub3A_167 = arith.subi %scan3A_140, %mul3A_166 : i32
      %mul3A_168 = arith.constant 16 : i32
      %mul3A_169 = arith.muli %sub3A_167, %mul3A_168 : i32
      %broadcast_in_dim3A_170 = vector.broadcast %select_n3A_164 : i32 to vector<16xi32>
      %get3A_171 = arith.index_cast %select_n3A_164 : i32 to index
      %get3A_172 = arith.index_cast %mul3A_169 : i32 to index
      %get3A_173 = tpu.vector_load %arg5[%get3A_171, %get3A_172] {strides = array<i32>} : memref<16x512xi32, #tpu.memory_space<vmem>>, vector<16xi32>,
      %and3A_174 = arith.constant 511 : i32
      %and3A_175 = vector.broadcast %and3A_174 : i32 to vector<16xi32>
      %and3A_176 = arith.andi %get3A_173, %and3A_175 : vector<16xi32>
      %gather3A_177 = tpu.vector_load_idx %arg5[%broadcast_in_dim3A_170, %and3A_176] : memref<16x512xi32, #tpu.memory_space<vmem>>[vector<16xi32>, vector<16xi32>], vector<16xi32>,
      %shift_right_logical3A_178 = arith.constant 12 : i32
      %shift_right_logical3A_179 = vector.broadcast %shift_right_logical3A_178 : i32 to vector<16xi32>
      %shift_right_logical3A_180 = arith.shrui %gather3A_177, %shift_right_logical3A_179 : vector<16xi32>
      %gather3A_181 = tpu.vector_load_idx %arg6[%broadcast_in_dim3A_170, %shift_right_logical3A_180] : memref<16x512xf32, #tpu.memory_space<vmem>>[vector<16xi32>, vector<16xi32>], vector<16xf32>,
      %get3A_182 = arith.index_cast %select_n3A_164 : i32 to index
      %get3A_183 = arith.index_cast %mul3A_169 : i32 to index
      %get3A_184 = tpu.vector_load %arg6[%get3A_182, %get3A_183] {strides = array<i32>} : memref<16x512xf32, #tpu.memory_space<vmem>>, vector<16xf32>,
      %sub3A_185 = arith.subf %get3A_184, %gather3A_181 : vector<16xf32>
      %add3A_186 = arith.constant 1.500000e-01 : f32
      %add3A_187 = vector.broadcast %add3A_186 : f32 to vector<16xf32>
      %add3A_188 = arith.addf %sub3A_185, %add3A_187 : vector<16xf32>
      %max3A_189 = arith.constant 0.000000e+00 : f32
      %max3A_190 = vector.broadcast %max3A_189 : f32 to vector<16xf32>
      %max3A_191 = arith.maximumf %add3A_188, %max3A_190 : vector<16xf32>
      %and3A_192 = arith.constant 2048 : i32
      %and3A_193 = vector.broadcast %and3A_192 : i32 to vector<16xi32>
      %and3A_194 = arith.andi %get3A_173, %and3A_193 : vector<16xi32>
      %eq3A_195 = arith.constant 0 : i32
      %eq3A_196 = vector.broadcast %eq3A_195 : i32 to vector<16xi32>
      %eq3A_197 = arith.cmpi eq, %and3A_194, %eq3A_196 : vector<16xi32>
      %jit3A_198 = arith.constant 0.000000e+00 : f32
      %broadcast_in_dim3A_199 = vector.broadcast %jit3A_198 : f32 to vector<16xf32>
      %select_n3A_200 = arith.select %eq3A_197, %max3A_191, %broadcast_in_dim3A_199 : vector<16xi1>, vector<16xf32>
      %add3A_201 = arith.addf %add3A_138, %select_n3A_200 : vector<16xf32>
      %scan3A_202 = arith.constant 3 : i32
      %scan3A_203 = arith.addi %scan3A_26, %scan3A_202 : i32
      %jit3A_204 = arith.constant 32 : i32
      %div3A_205 = arith.divsi %scan3A_203, %jit3A_204 : i32
      %sign3A_206 = arith.constant 0 : i32
      %sign3A_207 = arith.cmpi sgt, %scan3A_203, %sign3A_206 : i32
      %sign3A_208 = arith.extui %sign3A_207 : i1 to i32
      %sign3A_209 = arith.constant 0 : i32
      %sign3A_210 = arith.cmpi slt, %scan3A_203, %sign3A_209 : i32
      %sign3A_211 = arith.extui %sign3A_210 : i1 to i32
      %sign3A_212 = arith.subi %sign3A_208, %sign3A_211 : i32
      %sign3A_213 = arith.constant 0 : i32
      %sign3A_214 = arith.cmpi sgt, %jit3A_204, %sign3A_213 : i32
      %sign3A_215 = arith.extui %sign3A_214 : i1 to i32
      %sign3A_216 = arith.constant 0 : i32
      %sign3A_217 = arith.cmpi slt, %jit3A_204, %sign3A_216 : i32
      %sign3A_218 = arith.extui %sign3A_217 : i1 to i32
      %sign3A_219 = arith.subi %sign3A_215, %sign3A_218 : i32
      %ne3A_220 = arith.cmpi ne, %sign3A_212, %sign3A_219 : i32
      %rem3A_221 = arith.remsi %scan3A_203, %jit3A_204 : i32
      %ne3A_222 = arith.constant 0 : i32
      %ne3A_223 = arith.cmpi ne, %rem3A_221, %ne3A_222 : i32
      %and3A_224 = arith.andi %ne3A_220, %ne3A_223 : i1
      %sub3A_225 = arith.constant 1 : i32
      %sub3A_226 = arith.subi %div3A_205, %sub3A_225 : i32
      %select_n3A_227 = arith.select %and3A_224, %sub3A_226, %div3A_205 : i32
      %mul3A_228 = arith.constant 32 : i32
      %mul3A_229 = arith.muli %select_n3A_227, %mul3A_228 : i32
      %sub3A_230 = arith.subi %scan3A_203, %mul3A_229 : i32
      %mul3A_231 = arith.constant 16 : i32
      %mul3A_232 = arith.muli %sub3A_230, %mul3A_231 : i32
      %broadcast_in_dim3A_233 = vector.broadcast %select_n3A_227 : i32 to vector<16xi32>
      %get3A_234 = arith.index_cast %select_n3A_227 : i32 to index
      %get3A_235 = arith.index_cast %mul3A_232 : i32 to index
      %get3A_236 = tpu.vector_load %arg5[%get3A_234, %get3A_235] {strides = array<i32>} : memref<16x512xi32, #tpu.memory_space<vmem>>, vector<16xi32>,
      %and3A_237 = arith.constant 511 : i32
      %and3A_238 = vector.broadcast %and3A_237 : i32 to vector<16xi32>
      %and3A_239 = arith.andi %get3A_236, %and3A_238 : vector<16xi32>
      %gather3A_240 = tpu.vector_load_idx %arg5[%broadcast_in_dim3A_233, %and3A_239] : memref<16x512xi32, #tpu.memory_space<vmem>>[vector<16xi32>, vector<16xi32>], vector<16xi32>,
      %shift_right_logical3A_241 = arith.constant 12 : i32
      %shift_right_logical3A_242 = vector.broadcast %shift_right_logical3A_241 : i32 to vector<16xi32>
      %shift_right_logical3A_243 = arith.shrui %gather3A_240, %shift_right_logical3A_242 : vector<16xi32>
      %gather3A_244 = tpu.vector_load_idx %arg6[%broadcast_in_dim3A_233, %shift_right_logical3A_243] : memref<16x512xf32, #tpu.memory_space<vmem>>[vector<16xi32>, vector<16xi32>], vector<16xf32>,
      %get3A_245 = arith.index_cast %select_n3A_227 : i32 to index
      %get3A_246 = arith.index_cast %mul3A_232 : i32 to index
      %get3A_247 = tpu.vector_load %arg6[%get3A_245, %get3A_246] {strides = array<i32>} : memref<16x512xf32, #tpu.memory_space<vmem>>, vector<16xf32>,
      %sub3A_248 = arith.subf %get3A_247, %gather3A_244 : vector<16xf32>
      %add3A_249 = arith.constant 1.500000e-01 : f32
      %add3A_250 = vector.broadcast %add3A_249 : f32 to vector<16xf32>
      %add3A_251 = arith.addf %sub3A_248, %add3A_250 : vector<16xf32>
      %max3A_252 = arith.constant 0.000000e+00 : f32
      %max3A_253 = vector.broadcast %max3A_252 : f32 to vector<16xf32>
      %max3A_254 = arith.maximumf %add3A_251, %max3A_253 : vector<16xf32>
      %and3A_255 = arith.constant 2048 : i32
      %and3A_256 = vector.broadcast %and3A_255 : i32 to vector<16xi32>
      %and3A_257 = arith.andi %get3A_236, %and3A_256 : vector<16xi32>
      %eq3A_258 = arith.constant 0 : i32
      %eq3A_259 = vector.broadcast %eq3A_258 : i32 to vector<16xi32>
      %eq3A_260 = arith.cmpi eq, %and3A_257, %eq3A_259 : vector<16xi32>
      %jit3A_261 = arith.constant 0.000000e+00 : f32
      %broadcast_in_dim3A_262 = vector.broadcast %jit3A_261 : f32 to vector<16xf32>
      %select_n3A_263 = arith.select %eq3A_260, %max3A_254, %broadcast_in_dim3A_262 : vector<16xi1>, vector<16xf32>
      %add3A_264 = arith.addf %add3A_201, %select_n3A_263 : vector<16xf32>
      %scan3A_265 = arith.constant 4 : i32
      %scan3A_266 = arith.addi %scan3A_26, %scan3A_265 : i32
      %jit3A_267 = arith.constant 32 : i32
      %div3A_268 = arith.divsi %scan3A_266, %jit3A_267 : i32
      %sign3A_269 = arith.constant 0 : i32
      %sign3A_270 = arith.cmpi sgt, %scan3A_266, %sign3A_269 : i32
      %sign3A_271 = arith.extui %sign3A_270 : i1 to i32
      %sign3A_272 = arith.constant 0 : i32
      %sign3A_273 = arith.cmpi slt, %scan3A_266, %sign3A_272 : i32
      %sign3A_274 = arith.extui %sign3A_273 : i1 to i32
      %sign3A_275 = arith.subi %sign3A_271, %sign3A_274 : i32
      %sign3A_276 = arith.constant 0 : i32
      %sign3A_277 = arith.cmpi sgt, %jit3A_267, %sign3A_276 : i32
      %sign3A_278 = arith.extui %sign3A_277 : i1 to i32
      %sign3A_279 = arith.constant 0 : i32
      %sign3A_280 = arith.cmpi slt, %jit3A_267, %sign3A_279 : i32
      %sign3A_281 = arith.extui %sign3A_280 : i1 to i32
      %sign3A_282 = arith.subi %sign3A_278, %sign3A_281 : i32
      %ne3A_283 = arith.cmpi ne, %sign3A_275, %sign3A_282 : i32
      %rem3A_284 = arith.remsi %scan3A_266, %jit3A_267 : i32
      %ne3A_285 = arith.constant 0 : i32
      %ne3A_286 = arith.cmpi ne, %rem3A_284, %ne3A_285 : i32
      %and3A_287 = arith.andi %ne3A_283, %ne3A_286 : i1
      %sub3A_288 = arith.constant 1 : i32
      %sub3A_289 = arith.subi %div3A_268, %sub3A_288 : i32
      %select_n3A_290 = arith.select %and3A_287, %sub3A_289, %div3A_268 : i32
      %mul3A_291 = arith.constant 32 : i32
      %mul3A_292 = arith.muli %select_n3A_290, %mul3A_291 : i32
      %sub3A_293 = arith.subi %scan3A_266, %mul3A_292 : i32
      %mul3A_294 = arith.constant 16 : i32
      %mul3A_295 = arith.muli %sub3A_293, %mul3A_294 : i32
      %broadcast_in_dim3A_296 = vector.broadcast %select_n3A_290 : i32 to vector<16xi32>
      %get3A_297 = arith.index_cast %select_n3A_290 : i32 to index
      %get3A_298 = arith.index_cast %mul3A_295 : i32 to index
      %get3A_299 = tpu.vector_load %arg5[%get3A_297, %get3A_298] {strides = array<i32>} : memref<16x512xi32, #tpu.memory_space<vmem>>, vector<16xi32>,
      %and3A_300 = arith.constant 511 : i32
      %and3A_301 = vector.broadcast %and3A_300 : i32 to vector<16xi32>
      %and3A_302 = arith.andi %get3A_299, %and3A_301 : vector<16xi32>
      %gather3A_303 = tpu.vector_load_idx %arg5[%broadcast_in_dim3A_296, %and3A_302] : memref<16x512xi32, #tpu.memory_space<vmem>>[vector<16xi32>, vector<16xi32>], vector<16xi32>,
      %shift_right_logical3A_304 = arith.constant 12 : i32
      %shift_right_logical3A_305 = vector.broadcast %shift_right_logical3A_304 : i32 to vector<16xi32>
      %shift_right_logical3A_306 = arith.shrui %gather3A_303, %shift_right_logical3A_305 : vector<16xi32>
      %gather3A_307 = tpu.vector_load_idx %arg6[%broadcast_in_dim3A_296, %shift_right_logical3A_306] : memref<16x512xf32, #tpu.memory_space<vmem>>[vector<16xi32>, vector<16xi32>], vector<16xf32>,
      %get3A_308 = arith.index_cast %select_n3A_290 : i32 to index
      %get3A_309 = arith.index_cast %mul3A_295 : i32 to index
      %get3A_310 = tpu.vector_load %arg6[%get3A_308, %get3A_309] {strides = array<i32>} : memref<16x512xf32, #tpu.memory_space<vmem>>, vector<16xf32>,
      %sub3A_311 = arith.subf %get3A_310, %gather3A_307 : vector<16xf32>
      %add3A_312 = arith.constant 1.500000e-01 : f32
      %add3A_313 = vector.broadcast %add3A_312 : f32 to vector<16xf32>
      %add3A_314 = arith.addf %sub3A_311, %add3A_313 : vector<16xf32>
      %max3A_315 = arith.constant 0.000000e+00 : f32
      %max3A_316 = vector.broadcast %max3A_315 : f32 to vector<16xf32>
      %max3A_317 = arith.maximumf %add3A_314, %max3A_316 : vector<16xf32>
      %and3A_318 = arith.constant 2048 : i32
      %and3A_319 = vector.broadcast %and3A_318 : i32 to vector<16xi32>
      %and3A_320 = arith.andi %get3A_299, %and3A_319 : vector<16xi32>
      %eq3A_321 = arith.constant 0 : i32
      %eq3A_322 = vector.broadcast %eq3A_321 : i32 to vector<16xi32>
      %eq3A_323 = arith.cmpi eq, %and3A_320, %eq3A_322 : vector<16xi32>
      %jit3A_324 = arith.constant 0.000000e+00 : f32
      %broadcast_in_dim3A_325 = vector.broadcast %jit3A_324 : f32 to vector<16xf32>
      %select_n3A_326 = arith.select %eq3A_323, %max3A_317, %broadcast_in_dim3A_325 : vector<16xi1>, vector<16xf32>
      %add3A_327 = arith.addf %add3A_264, %select_n3A_326 : vector<16xf32>
      %scan3A_328 = arith.constant 5 : i32
      %scan3A_329 = arith.addi %scan3A_26, %scan3A_328 : i32
      %jit3A_330 = arith.constant 32 : i32
      %div3A_331 = arith.divsi %scan3A_329, %jit3A_330 : i32
      %sign3A_332 = arith.constant 0 : i32
      %sign3A_333 = arith.cmpi sgt, %scan3A_329, %sign3A_332 : i32
      %sign3A_334 = arith.extui %sign3A_333 : i1 to i32
      %sign3A_335 = arith.constant 0 : i32
      %sign3A_336 = arith.cmpi slt, %scan3A_329, %sign3A_335 : i32
      %sign3A_337 = arith.extui %sign3A_336 : i1 to i32
      %sign3A_338 = arith.subi %sign3A_334, %sign3A_337 : i32
      %sign3A_339 = arith.constant 0 : i32
      %sign3A_340 = arith.cmpi sgt, %jit3A_330, %sign3A_339 : i32
      %sign3A_341 = arith.extui %sign3A_340 : i1 to i32
      %sign3A_342 = arith.constant 0 : i32
      %sign3A_343 = arith.cmpi slt, %jit3A_330, %sign3A_342 : i32
      %sign3A_344 = arith.extui %sign3A_343 : i1 to i32
      %sign3A_345 = arith.subi %sign3A_341, %sign3A_344 : i32
      %ne3A_346 = arith.cmpi ne, %sign3A_338, %sign3A_345 : i32
      %rem3A_347 = arith.remsi %scan3A_329, %jit3A_330 : i32
      %ne3A_348 = arith.constant 0 : i32
      %ne3A_349 = arith.cmpi ne, %rem3A_347, %ne3A_348 : i32
      %and3A_350 = arith.andi %ne3A_346, %ne3A_349 : i1
      %sub3A_351 = arith.constant 1 : i32
      %sub3A_352 = arith.subi %div3A_331, %sub3A_351 : i32
      %select_n3A_353 = arith.select %and3A_350, %sub3A_352, %div3A_331 : i32
      %mul3A_354 = arith.constant 32 : i32
      %mul3A_355 = arith.muli %select_n3A_353, %mul3A_354 : i32
      %sub3A_356 = arith.subi %scan3A_329, %mul3A_355 : i32
      %mul3A_357 = arith.constant 16 : i32
      %mul3A_358 = arith.muli %sub3A_356, %mul3A_357 : i32
      %broadcast_in_dim3A_359 = vector.broadcast %select_n3A_353 : i32 to vector<16xi32>
      %get3A_360 = arith.index_cast %select_n3A_353 : i32 to index
      %get3A_361 = arith.index_cast %mul3A_358 : i32 to index
      %get3A_362 = tpu.vector_load %arg5[%get3A_360, %get3A_361] {strides = array<i32>} : memref<16x512xi32, #tpu.memory_space<vmem>>, vector<16xi32>,
      %and3A_363 = arith.constant 511 : i32
      %and3A_364 = vector.broadcast %and3A_363 : i32 to vector<16xi32>
      %and3A_365 = arith.andi %get3A_362, %and3A_364 : vector<16xi32>
      %gather3A_366 = tpu.vector_load_idx %arg5[%broadcast_in_dim3A_359, %and3A_365] : memref<16x512xi32, #tpu.memory_space<vmem>>[vector<16xi32>, vector<16xi32>], vector<16xi32>,
      %shift_right_logical3A_367 = arith.constant 12 : i32
      %shift_right_logical3A_368 = vector.broadcast %shift_right_logical3A_367 : i32 to vector<16xi32>
      %shift_right_logical3A_369 = arith.shrui %gather3A_366, %shift_right_logical3A_368 : vector<16xi32>
      %gather3A_370 = tpu.vector_load_idx %arg6[%broadcast_in_dim3A_359, %shift_right_logical3A_369] : memref<16x512xf32, #tpu.memory_space<vmem>>[vector<16xi32>, vector<16xi32>], vector<16xf32>,
      %get3A_371 = arith.index_cast %select_n3A_353 : i32 to index
      %get3A_372 = arith.index_cast %mul3A_358 : i32 to index
      %get3A_373 = tpu.vector_load %arg6[%get3A_371, %get3A_372] {strides = array<i32>} : memref<16x512xf32, #tpu.memory_space<vmem>>, vector<16xf32>,
      %sub3A_374 = arith.subf %get3A_373, %gather3A_370 : vector<16xf32>
      %add3A_375 = arith.constant 1.500000e-01 : f32
      %add3A_376 = vector.broadcast %add3A_375 : f32 to vector<16xf32>
      %add3A_377 = arith.addf %sub3A_374, %add3A_376 : vector<16xf32>
      %max3A_378 = arith.constant 0.000000e+00 : f32
      %max3A_379 = vector.broadcast %max3A_378 : f32 to vector<16xf32>
      %max3A_380 = arith.maximumf %add3A_377, %max3A_379 : vector<16xf32>
      %and3A_381 = arith.constant 2048 : i32
      %and3A_382 = vector.broadcast %and3A_381 : i32 to vector<16xi32>
      %and3A_383 = arith.andi %get3A_362, %and3A_382 : vector<16xi32>
      %eq3A_384 = arith.constant 0 : i32
      %eq3A_385 = vector.broadcast %eq3A_384 : i32 to vector<16xi32>
      %eq3A_386 = arith.cmpi eq, %and3A_383, %eq3A_385 : vector<16xi32>
      %jit3A_387 = arith.constant 0.000000e+00 : f32
      %broadcast_in_dim3A_388 = vector.broadcast %jit3A_387 : f32 to vector<16xf32>
      %select_n3A_389 = arith.select %eq3A_386, %max3A_380, %broadcast_in_dim3A_388 : vector<16xi1>, vector<16xf32>
      %add3A_390 = arith.addf %add3A_327, %select_n3A_389 : vector<16xf32>
      %scan3A_391 = arith.constant 6 : i32
      %scan3A_392 = arith.addi %scan3A_26, %scan3A_391 : i32
      %jit3A_393 = arith.constant 32 : i32
      %div3A_394 = arith.divsi %scan3A_392, %jit3A_393 : i32
      %sign3A_395 = arith.constant 0 : i32
      %sign3A_396 = arith.cmpi sgt, %scan3A_392, %sign3A_395 : i32
      %sign3A_397 = arith.extui %sign3A_396 : i1 to i32
      %sign3A_398 = arith.constant 0 : i32
      %sign3A_399 = arith.cmpi slt, %scan3A_392, %sign3A_398 : i32
      %sign3A_400 = arith.extui %sign3A_399 : i1 to i32
      %sign3A_401 = arith.subi %sign3A_397, %sign3A_400 : i32
      %sign3A_402 = arith.constant 0 : i32
      %sign3A_403 = arith.cmpi sgt, %jit3A_393, %sign3A_402 : i32
      %sign3A_404 = arith.extui %sign3A_403 : i1 to i32
      %sign3A_405 = arith.constant 0 : i32
      %sign3A_406 = arith.cmpi slt, %jit3A_393, %sign3A_405 : i32
      %sign3A_407 = arith.extui %sign3A_406 : i1 to i32
      %sign3A_408 = arith.subi %sign3A_404, %sign3A_407 : i32
      %ne3A_409 = arith.cmpi ne, %sign3A_401, %sign3A_408 : i32
      %rem3A_410 = arith.remsi %scan3A_392, %jit3A_393 : i32
      %ne3A_411 = arith.constant 0 : i32
      %ne3A_412 = arith.cmpi ne, %rem3A_410, %ne3A_411 : i32
      %and3A_413 = arith.andi %ne3A_409, %ne3A_412 : i1
      %sub3A_414 = arith.constant 1 : i32
      %sub3A_415 = arith.subi %div3A_394, %sub3A_414 : i32
      %select_n3A_416 = arith.select %and3A_413, %sub3A_415, %div3A_394 : i32
      %mul3A_417 = arith.constant 32 : i32
      %mul3A_418 = arith.muli %select_n3A_416, %mul3A_417 : i32
      %sub3A_419 = arith.subi %scan3A_392, %mul3A_418 : i32
      %mul3A_420 = arith.constant 16 : i32
      %mul3A_421 = arith.muli %sub3A_419, %mul3A_420 : i32
      %broadcast_in_dim3A_422 = vector.broadcast %select_n3A_416 : i32 to vector<16xi32>
      %get3A_423 = arith.index_cast %select_n3A_416 : i32 to index
      %get3A_424 = arith.index_cast %mul3A_421 : i32 to index
      %get3A_425 = tpu.vector_load %arg5[%get3A_423, %get3A_424] {strides = array<i32>} : memref<16x512xi32, #tpu.memory_space<vmem>>, vector<16xi32>,
      %and3A_426 = arith.constant 511 : i32
      %and3A_427 = vector.broadcast %and3A_426 : i32 to vector<16xi32>
      %and3A_428 = arith.andi %get3A_425, %and3A_427 : vector<16xi32>
      %gather3A_429 = tpu.vector_load_idx %arg5[%broadcast_in_dim3A_422, %and3A_428] : memref<16x512xi32, #tpu.memory_space<vmem>>[vector<16xi32>, vector<16xi32>], vector<16xi32>,
      %shift_right_logical3A_430 = arith.constant 12 : i32
      %shift_right_logical3A_431 = vector.broadcast %shift_right_logical3A_430 : i32 to vector<16xi32>
      %shift_right_logical3A_432 = arith.shrui %gather3A_429, %shift_right_logical3A_431 : vector<16xi32>
      %gather3A_433 = tpu.vector_load_idx %arg6[%broadcast_in_dim3A_422, %shift_right_logical3A_432] : memref<16x512xf32, #tpu.memory_space<vmem>>[vector<16xi32>, vector<16xi32>], vector<16xf32>,
      %get3A_434 = arith.index_cast %select_n3A_416 : i32 to index
      %get3A_435 = arith.index_cast %mul3A_421 : i32 to index
      %get3A_436 = tpu.vector_load %arg6[%get3A_434, %get3A_435] {strides = array<i32>} : memref<16x512xf32, #tpu.memory_space<vmem>>, vector<16xf32>,
      %sub3A_437 = arith.subf %get3A_436, %gather3A_433 : vector<16xf32>
      %add3A_438 = arith.constant 1.500000e-01 : f32
      %add3A_439 = vector.broadcast %add3A_438 : f32 to vector<16xf32>
      %add3A_440 = arith.addf %sub3A_437, %add3A_439 : vector<16xf32>
      %max3A_441 = arith.constant 0.000000e+00 : f32
      %max3A_442 = vector.broadcast %max3A_441 : f32 to vector<16xf32>
      %max3A_443 = arith.maximumf %add3A_440, %max3A_442 : vector<16xf32>
      %and3A_444 = arith.constant 2048 : i32
      %and3A_445 = vector.broadcast %and3A_444 : i32 to vector<16xi32>
      %and3A_446 = arith.andi %get3A_425, %and3A_445 : vector<16xi32>
      %eq3A_447 = arith.constant 0 : i32
      %eq3A_448 = vector.broadcast %eq3A_447 : i32 to vector<16xi32>
      %eq3A_449 = arith.cmpi eq, %and3A_446, %eq3A_448 : vector<16xi32>
      %jit3A_450 = arith.constant 0.000000e+00 : f32
      %broadcast_in_dim3A_451 = vector.broadcast %jit3A_450 : f32 to vector<16xf32>
      %select_n3A_452 = arith.select %eq3A_449, %max3A_443, %broadcast_in_dim3A_451 : vector<16xi1>, vector<16xf32>
      %add3A_453 = arith.addf %add3A_390, %select_n3A_452 : vector<16xf32>
      %scan3A_454 = arith.constant 7 : i32
      %scan3A_455 = arith.addi %scan3A_26, %scan3A_454 : i32
      %jit3A_456 = arith.constant 32 : i32
      %div3A_457 = arith.divsi %scan3A_455, %jit3A_456 : i32
      %sign3A_458 = arith.constant 0 : i32
      %sign3A_459 = arith.cmpi sgt, %scan3A_455, %sign3A_458 : i32
      %sign3A_460 = arith.extui %sign3A_459 : i1 to i32
      %sign3A_461 = arith.constant 0 : i32
      %sign3A_462 = arith.cmpi slt, %scan3A_455, %sign3A_461 : i32
      %sign3A_463 = arith.extui %sign3A_462 : i1 to i32
      %sign3A_464 = arith.subi %sign3A_460, %sign3A_463 : i32
      %sign3A_465 = arith.constant 0 : i32
      %sign3A_466 = arith.cmpi sgt, %jit3A_456, %sign3A_465 : i32
      %sign3A_467 = arith.extui %sign3A_466 : i1 to i32
      %sign3A_468 = arith.constant 0 : i32
      %sign3A_469 = arith.cmpi slt, %jit3A_456, %sign3A_468 : i32
      %sign3A_470 = arith.extui %sign3A_469 : i1 to i32
      %sign3A_471 = arith.subi %sign3A_467, %sign3A_470 : i32
      %ne3A_472 = arith.cmpi ne, %sign3A_464, %sign3A_471 : i32
      %rem3A_473 = arith.remsi %scan3A_455, %jit3A_456 : i32
      %ne3A_474 = arith.constant 0 : i32
      %ne3A_475 = arith.cmpi ne, %rem3A_473, %ne3A_474 : i32
      %and3A_476 = arith.andi %ne3A_472, %ne3A_475 : i1
      %sub3A_477 = arith.constant 1 : i32
      %sub3A_478 = arith.subi %div3A_457, %sub3A_477 : i32
      %select_n3A_479 = arith.select %and3A_476, %sub3A_478, %div3A_457 : i32
      %mul3A_480 = arith.constant 32 : i32
      %mul3A_481 = arith.muli %select_n3A_479, %mul3A_480 : i32
      %sub3A_482 = arith.subi %scan3A_455, %mul3A_481 : i32
      %mul3A_483 = arith.constant 16 : i32
      %mul3A_484 = arith.muli %sub3A_482, %mul3A_483 : i32
      %broadcast_in_dim3A_485 = vector.broadcast %select_n3A_479 : i32 to vector<16xi32>
      %get3A_486 = arith.index_cast %select_n3A_479 : i32 to index
      %get3A_487 = arith.index_cast %mul3A_484 : i32 to index
      %get3A_488 = tpu.vector_load %arg5[%get3A_486, %get3A_487] {strides = array<i32>} : memref<16x512xi32, #tpu.memory_space<vmem>>, vector<16xi32>,
      %and3A_489 = arith.constant 511 : i32
      %and3A_490 = vector.broadcast %and3A_489 : i32 to vector<16xi32>
      %and3A_491 = arith.andi %get3A_488, %and3A_490 : vector<16xi32>
      %gather3A_492 = tpu.vector_load_idx %arg5[%broadcast_in_dim3A_485, %and3A_491] : memref<16x512xi32, #tpu.memory_space<vmem>>[vector<16xi32>, vector<16xi32>], vector<16xi32>,
      %shift_right_logical3A_493 = arith.constant 12 : i32
      %shift_right_logical3A_494 = vector.broadcast %shift_right_logical3A_493 : i32 to vector<16xi32>
      %shift_right_logical3A_495 = arith.shrui %gather3A_492, %shift_right_logical3A_494 : vector<16xi32>
      %gather3A_496 = tpu.vector_load_idx %arg6[%broadcast_in_dim3A_485, %shift_right_logical3A_495] : memref<16x512xf32, #tpu.memory_space<vmem>>[vector<16xi32>, vector<16xi32>], vector<16xf32>,
      %get3A_497 = arith.index_cast %select_n3A_479 : i32 to index
      %get3A_498 = arith.index_cast %mul3A_484 : i32 to index
      %get3A_499 = tpu.vector_load %arg6[%get3A_497, %get3A_498] {strides = array<i32>} : memref<16x512xf32, #tpu.memory_space<vmem>>, vector<16xf32>,
      %sub3A_500 = arith.subf %get3A_499, %gather3A_496 : vector<16xf32>
      %add3A_501 = arith.constant 1.500000e-01 : f32
      %add3A_502 = vector.broadcast %add3A_501 : f32 to vector<16xf32>
      %add3A_503 = arith.addf %sub3A_500, %add3A_502 : vector<16xf32>
      %max3A_504 = arith.constant 0.000000e+00 : f32
      %max3A_505 = vector.broadcast %max3A_504 : f32 to vector<16xf32>
      %max3A_506 = arith.maximumf %add3A_503, %max3A_505 : vector<16xf32>
      %and3A_507 = arith.constant 2048 : i32
      %and3A_508 = vector.broadcast %and3A_507 : i32 to vector<16xi32>
      %and3A_509 = arith.andi %get3A_488, %and3A_508 : vector<16xi32>
      %eq3A_510 = arith.constant 0 : i32
      %eq3A_511 = vector.broadcast %eq3A_510 : i32 to vector<16xi32>
      %eq3A_512 = arith.cmpi eq, %and3A_509, %eq3A_511 : vector<16xi32>
      %jit3A_513 = arith.constant 0.000000e+00 : f32
      %broadcast_in_dim3A_514 = vector.broadcast %jit3A_513 : f32 to vector<16xf32>
      %select_n3A_515 = arith.select %eq3A_512, %max3A_506, %broadcast_in_dim3A_514 : vector<16xi1>, vector<16xf32>
      %add3A_516 = arith.addf %add3A_453, %select_n3A_515 : vector<16xf32>
      scf.yield %add3A_516 : vector<16xf32>
    }
    %scan3A_22 = arith.constant 512 : i32
    %swap3A = arith.constant 0 : index
    %swap3A_23 = tpu.vector_load %arg7[%swap3A] {strides = array<i32>} : memref<16xf32, #tpu.memory_space<vmem>>, vector<16xf32>,
    tpu.vector_store %arg7[%swap3A], %scan3A_21 {strides = array<i32>} : memref<16xf32, #tpu.memory_space<vmem>>, vector<16xf32>,
    %mul3A_24 = arith.constant 16 : i32
    %mul3A_25 = arith.muli %add3A, %mul3A_24 : i32
    "tpu.region"() ({
      %run_scoped3A = tpu.sem_alloc : memref<!tpu.dma_semaphore, #tpu.memory_space<semaphore_mem>>
      %dma_start3A_26 = tpu.memref_slice %arg4[%mul3A_25] : memref<512xf32, #tpu.memory_space<hbm>> -> memref<16xf32, #tpu.memory_space<hbm>>
      %dma_start3A_27 = tpu.memref_slice %arg4[%mul3A_25] : memref<512xf32, #tpu.memory_space<hbm>> -> memref<16xf32, #tpu.memory_space<hbm>>
      tpu.enqueue_dma source(%arg7 : memref<16xf32, #tpu.memory_space<vmem>>) target(%dma_start3A_27 : memref<16xf32, #tpu.memory_space<hbm>>) target_semaphore(%run_scoped3A : memref<!tpu.dma_semaphore, #tpu.memory_space<semaphore_mem>>)
      %dma_wait3A_28 = tpu.memref_slice %arg4[%mul3A_25] : memref<512xf32, #tpu.memory_space<hbm>> -> memref<16xf32, #tpu.memory_space<hbm>>
      %dma_wait3A_29 = tpu.memref_slice %arg4[%mul3A_25] : memref<512xf32, #tpu.memory_space<hbm>> -> memref<16xf32, #tpu.memory_space<hbm>>
      tpu.wait_dma2 semaphore(%run_scoped3A : memref<!tpu.dma_semaphore, #tpu.memory_space<semaphore_mem>>) src(%arg7 : memref<16xf32, #tpu.memory_space<vmem>>) dst(%dma_wait3A_29 : memref<16xf32, #tpu.memory_space<hbm>>)
      tpu.yield
    }) : () -> ()
    return
  }
}

module attributes {stable_mosaic.version = 14 : i64} {
  func.func @_tc_mine(%arg0: memref<512x128xf32, #tpu.memory_space<vmem>>, %arg1: memref<512xi32, #tpu.memory_space<vmem>>, %arg2: memref<512x512xi32, #tpu.memory_space<vmem>>, %arg3: memref<512x512xi32, #tpu.memory_space<vmem>>, %arg4: memref<512x512xi32, #tpu.memory_space<vmem>>, %arg5: memref<512x512xf32, #tpu.memory_space<vmem>>) attributes {dimension_semantics = [], scalar_prefetch = 0 : i64, scratch_operands = 0 : i64, tpu.core_type = #tpu.core_type<tc>} {
    %get3A = arith.constant 0 : index
    %get3A_0 = arith.constant 0 : index
    %get3A_1 = vector.load %arg0[%get3A, %get3A_0] : memref<512x128xf32, #tpu.memory_space<vmem>>, vector<512x128xf32>
    %get3A_2 = arith.constant 0 : index
    %get3A_3 = vector.load %arg1[%get3A_2] : memref<512xi32, #tpu.memory_space<vmem>>, vector<512xi32>
    %reshape3A = vector.shape_cast %get3A_3 : vector<512xi32> to vector<1x512xi32>
    %get3A_4 = arith.constant 0 : index
    %get3A_5 = arith.constant 0 : index
    %get3A_6 = vector.load %arg2[%get3A_4, %get3A_5] : memref<512x512xi32, #tpu.memory_space<vmem>>, vector<512x512xi32>
    %get3A_7 = arith.constant 0 : index
    %get3A_8 = arith.constant 0 : index
    %get3A_9 = vector.load %arg3[%get3A_7, %get3A_8] : memref<512x512xi32, #tpu.memory_space<vmem>>, vector<512x512xi32>
    %mul3A = arith.mulf %get3A_1, %get3A_1 : vector<512x128xf32>
    %reduce_sum3A = arith.constant dense<0.000000e+00> : vector<512xf32>
    %reduce_sum3A_10 = vector.multi_reduction <add>, %mul3A, %reduce_sum3A [1] : vector<512x128xf32> to vector<512xf32>
    %broadcast_in_dim3A = vector.shape_cast %reduce_sum3A_10 : vector<512xf32> to vector<512x1xf32>
    %sqrt3A = math.sqrt %broadcast_in_dim3A : vector<512x1xf32>
    %max3A = arith.constant 9.99999993E-9 : f32
    %max3A_11 = vector.broadcast %max3A : f32 to vector<512x1xf32>
    %max3A_12 = arith.maximumf %sqrt3A, %max3A_11 : vector<512x1xf32>
    %div3A = vector.broadcast %max3A_12 : vector<512x1xf32> to vector<512x128xf32>
    %div3A_13 = arith.divf %get3A_1, %div3A : vector<512x128xf32>
    %iota3A = tpu.iota {dimensions = array<i32: 0>} : vector<512x512xi32>
    %iota3A_14 = tpu.iota {dimensions = array<i32: 1>} : vector<512x512xi32>
    %iota3A_15 = tpu.iota {dimensions = array<i32: 1>} : vector<512x32xi32>
    %iota3A_16 = tpu.iota {dimensions = array<i32: 0>} : vector<32x1xi32>
    %convert_element_type3A = arith.sitofp %iota3A_16 : vector<32x1xi32> to vector<32x1xf32>
    %iota3A_17 = tpu.iota {dimensions = array<i32: 0>} : vector<32x512xi32>
    %eq3A = vector.broadcast %reshape3A : vector<1x512xi32> to vector<32x512xi32>
    %eq3A_18 = arith.cmpi eq, %eq3A, %iota3A_17 : vector<32x512xi32>
    %convert_element_type3A_19 = arith.extui %eq3A_18 : vector<32x512xi1> to vector<32x512xi32>
    %convert_element_type3A_20 = arith.sitofp %convert_element_type3A_19 : vector<32x512xi32> to vector<32x512xf32>
    %dot_general3A = arith.constant dense<0.000000e+00> : vector<512x1xf32>
    %dot_general3A_21 = tpu.matmul %convert_element_type3A_20, %convert_element_type3A, %dot_general3A {dimension_numbers = #tpu.dot_dimension_numbers<[0], [0], [1], [1], [0, 1, 1, 1], [], []>, precision = #tpu.contract_precision<fp32>, transpose_lhs_hint = false} : vector<32x512xf32>, vector<32x1xf32>, vector<512x1xf32> -> vector<512x1xf32>
    %convert_element_type3A_22 = arith.fptosi %dot_general3A_21 : vector<512x1xf32> to vector<512x1xi32>
    %eq3A_23 = vector.broadcast %convert_element_type3A_22 : vector<512x1xi32> to vector<512x32xi32>
    %eq3A_24 = arith.cmpi eq, %eq3A_23, %iota3A_15 : vector<512x32xi32>
    %convert_element_type3A_25 = arith.extui %eq3A_24 : vector<512x32xi1> to vector<512x32xi32>
    %convert_element_type3A_26 = arith.sitofp %convert_element_type3A_25 : vector<512x32xi32> to vector<512x32xf32>
    %broadcast_in_dim3A_27 = arith.constant 1.000000e+00 : f32
    %broadcast_in_dim3A_28 = vector.broadcast %broadcast_in_dim3A_27 : f32 to vector<512x1xf32>
    %dot_general3A_29 = arith.constant dense<0.000000e+00> : vector<32x1xf32>
    %dot_general3A_30 = tpu.matmul %convert_element_type3A_26, %broadcast_in_dim3A_28, %dot_general3A_29 {dimension_numbers = #tpu.dot_dimension_numbers<[0], [0], [1], [1], [0, 1, 1, 1], [], []>, precision = #tpu.contract_precision<fp32>, transpose_lhs_hint = false} : vector<512x32xf32>, vector<512x1xf32>, vector<32x1xf32> -> vector<32x1xf32>
    %lt3A = arith.cmpi slt, %iota3A_14, %iota3A : vector<512x512xi32>
    %convert_element_type3A_31 = arith.extui %lt3A : vector<512x512xi1> to vector<512x512xi32>
    %convert_element_type3A_32 = arith.sitofp %convert_element_type3A_31 : vector<512x512xi32> to vector<512x512xf32>
    %dot_general3A_33 = arith.constant dense<0.000000e+00> : vector<512x32xf32>
    %dot_general3A_34 = tpu.matmul %convert_element_type3A_32, %convert_element_type3A_26, %dot_general3A_33 {dimension_numbers = #tpu.dot_dimension_numbers<[1], [0], [0], [1], [0, 0, 1, 1], [], []>, precision = #tpu.contract_precision<fp32>, transpose_lhs_hint = false} : vector<512x512xf32>, vector<512x32xf32>, vector<512x32xf32> -> vector<512x32xf32>
    %mul3A_35 = arith.mulf %dot_general3A_34, %convert_element_type3A_26 : vector<512x32xf32>
    %reduce_sum3A_36 = arith.constant dense<0.000000e+00> : vector<512xf32>
    %reduce_sum3A_37 = vector.multi_reduction <add>, %mul3A_35, %reduce_sum3A_36 [1] : vector<512x32xf32> to vector<512xf32>
    %broadcast_in_dim3A_38 = vector.shape_cast %reduce_sum3A_37 : vector<512xf32> to vector<512x1xf32>
    %iota3A_39 = tpu.iota {dimensions = array<i32: 0>} : vector<32x32xi32>
    %iota3A_40 = tpu.iota {dimensions = array<i32: 1>} : vector<32x32xi32>
    %lt3A_41 = arith.cmpi slt, %iota3A_40, %iota3A_39 : vector<32x32xi32>
    %convert_element_type3A_42 = arith.extui %lt3A_41 : vector<32x32xi1> to vector<32x32xi32>
    %convert_element_type3A_43 = arith.sitofp %convert_element_type3A_42 : vector<32x32xi32> to vector<32x32xf32>
    %dot_general3A_44 = arith.constant dense<0.000000e+00> : vector<32x1xf32>
    %dot_general3A_45 = tpu.matmul %convert_element_type3A_43, %dot_general3A_30, %dot_general3A_44 {dimension_numbers = #tpu.dot_dimension_numbers<[1], [0], [0], [1], [0, 0, 1, 1], [], []>, precision = #tpu.contract_precision<fp32>, transpose_lhs_hint = false} : vector<32x32xf32>, vector<32x1xf32>, vector<32x1xf32> -> vector<32x1xf32>
    %dot_general3A_46 = arith.constant dense<0.000000e+00> : vector<512x1xf32>
    %dot_general3A_47 = tpu.matmul %convert_element_type3A_26, %dot_general3A_45, %dot_general3A_46 {dimension_numbers = #tpu.dot_dimension_numbers<[1], [0], [0], [1], [0, 0, 1, 1], [], []>, precision = #tpu.contract_precision<fp32>, transpose_lhs_hint = false} : vector<512x32xf32>, vector<32x1xf32>, vector<512x1xf32> -> vector<512x1xf32>
    %add3A = arith.addf %dot_general3A_47, %broadcast_in_dim3A_38 : vector<512x1xf32>
    %convert_element_type3A_48 = arith.fptosi %add3A : vector<512x1xf32> to vector<512x1xi32>
    %eq3A_49 = vector.broadcast %convert_element_type3A_48 : vector<512x1xi32> to vector<512x512xi32>
    %eq3A_50 = arith.cmpi eq, %iota3A_14, %eq3A_49 : vector<512x512xi32>
    %convert_element_type3A_51 = arith.extui %eq3A_50 : vector<512x512xi1> to vector<512x512xi32>
    %convert_element_type3A_52 = arith.sitofp %convert_element_type3A_51 : vector<512x512xi32> to vector<512x512xf32>
    %dot_general3A_53 = arith.constant dense<0.000000e+00> : vector<512x128xf32>
    %dot_general3A_54 = tpu.matmul %convert_element_type3A_52, %div3A_13, %dot_general3A_53 {dimension_numbers = #tpu.dot_dimension_numbers<[0], [0], [1], [1], [0, 1, 1, 1], [], []>, precision = #tpu.contract_precision<fp32>, transpose_lhs_hint = false} : vector<512x512xf32>, vector<512x128xf32>, vector<512x128xf32> -> vector<512x128xf32>
    %dot_general3A_55 = arith.constant dense<0.000000e+00> : vector<512x512xf32>
    %dot_general3A_56 = tpu.matmul %div3A_13, %dot_general3A_54, %dot_general3A_55 {dimension_numbers = #tpu.dot_dimension_numbers<[1], [1], [0], [0], [0, 0, 1, 0], [], []>, precision = #tpu.contract_precision<fp32>, transpose_lhs_hint = false} : vector<512x128xf32>, vector<512x128xf32>, vector<512x512xf32> -> vector<512x512xf32>
    %dot_general3A_57 = arith.constant dense<0.000000e+00> : vector<512x32xf32>
    %dot_general3A_58 = tpu.matmul %convert_element_type3A_52, %convert_element_type3A_26, %dot_general3A_57 {dimension_numbers = #tpu.dot_dimension_numbers<[0], [0], [1], [1], [0, 1, 1, 1], [], []>, precision = #tpu.contract_precision<fp32>, transpose_lhs_hint = false} : vector<512x512xf32>, vector<512x32xf32>, vector<512x32xf32> -> vector<512x32xf32>
    %dot_general3A_59 = arith.constant dense<0.000000e+00> : vector<512x32xf32>
    %dot_general3A_60 = tpu.matmul %convert_element_type3A_52, %dot_general3A_34, %dot_general3A_59 {dimension_numbers = #tpu.dot_dimension_numbers<[0], [0], [1], [1], [0, 1, 1, 1], [], []>, precision = #tpu.contract_precision<fp32>, transpose_lhs_hint = false} : vector<512x512xf32>, vector<512x32xf32>, vector<512x32xf32> -> vector<512x32xf32>
    %dot_general3A_61 = arith.constant dense<0.000000e+00> : vector<1x512xf32>
    %dot_general3A_62 = tpu.matmul %convert_element_type3A, %dot_general3A_58, %dot_general3A_61 {dimension_numbers = #tpu.dot_dimension_numbers<[0], [1], [1], [0], [0, 1, 1, 0], [], []>, precision = #tpu.contract_precision<fp32>, transpose_lhs_hint = false} : vector<32x1xf32>, vector<512x32xf32>, vector<1x512xf32> -> vector<1x512xf32>
    %dot_general3A_63 = arith.constant dense<0.000000e+00> : vector<1x512xf32>
    %dot_general3A_64 = tpu.matmul %dot_general3A_45, %dot_general3A_58, %dot_general3A_63 {dimension_numbers = #tpu.dot_dimension_numbers<[0], [1], [1], [0], [0, 1, 1, 0], [], []>, precision = #tpu.contract_precision<fp32>, transpose_lhs_hint = false} : vector<32x1xf32>, vector<512x32xf32>, vector<1x512xf32> -> vector<1x512xf32>
    %iota3A_65 = tpu.iota {dimensions = array<i32: 1>} : vector<1x512xi32>
    %convert_element_type3A_66 = arith.sitofp %iota3A_65 : vector<1x512xi32> to vector<1x512xf32>
    %sub3A = arith.subf %convert_element_type3A_66, %dot_general3A_64 : vector<1x512xf32>
    %sub3A_67 = arith.subi %iota3A_39, %iota3A_40 : vector<32x32xi32>
    %abs3A = math.absi %sub3A_67 : vector<32x32xi32>
    %broadcast_in_dim3A_68 = arith.constant 0.000000e+00 : f32
    %broadcast_in_dim3A_69 = vector.broadcast %broadcast_in_dim3A_68 : f32 to vector<32x32xf32>
    %sub3A_70 = arith.constant 0 : i32
    %sub3A_71 = vector.broadcast %sub3A_70 : i32 to vector<32x32xi32>
    %sub3A_72 = arith.subi %iota3A_39, %sub3A_71 : vector<32x32xi32>
    %abs3A_73 = math.absi %sub3A_72 : vector<32x32xi32>
    %gt3A = arith.cmpi sgt, %abs3A_73, %abs3A : vector<32x32xi32>
    %convert_element_type3A_74 = arith.extui %gt3A : vector<32x32xi1> to vector<32x32xi32>
    %convert_element_type3A_75 = arith.sitofp %convert_element_type3A_74 : vector<32x32xi32> to vector<32x32xf32>
    %slice3A = vector.extract_strided_slice %dot_general3A_30 {offsets = [0, 0], sizes = [1, 1], strides = [1, 1]} : vector<32x1xf32> to vector<1x1xf32>
    %squeeze3A = vector.extract %slice3A[0, 0] : f32 from vector<1x1xf32>
    %mul3A_76 = vector.broadcast %squeeze3A : f32 to vector<32x32xf32>
    %mul3A_77 = arith.mulf %convert_element_type3A_75, %mul3A_76 : vector<32x32xf32>
    %add3A_78 = arith.addf %broadcast_in_dim3A_69, %mul3A_77 : vector<32x32xf32>
    %sub3A_79 = arith.constant 1 : i32
    %sub3A_80 = vector.broadcast %sub3A_79 : i32 to vector<32x32xi32>
    %sub3A_81 = arith.subi %iota3A_39, %sub3A_80 : vector<32x32xi32>
    %abs3A_82 = math.absi %sub3A_81 : vector<32x32xi32>
    %gt3A_83 = arith.cmpi sgt, %abs3A_82, %abs3A : vector<32x32xi32>
    %convert_element_type3A_84 = arith.extui %gt3A_83 : vector<32x32xi1> to vector<32x32xi32>
    %convert_element_type3A_85 = arith.sitofp %convert_element_type3A_84 : vector<32x32xi32> to vector<32x32xf32>
    %slice3A_86 = vector.extract_strided_slice %dot_general3A_30 {offsets = [1, 0], sizes = [1, 1], strides = [1, 1]} : vector<32x1xf32> to vector<1x1xf32>
    %squeeze3A_87 = vector.extract %slice3A_86[0, 0] : f32 from vector<1x1xf32>
    %mul3A_88 = vector.broadcast %squeeze3A_87 : f32 to vector<32x32xf32>
    %mul3A_89 = arith.mulf %convert_element_type3A_85, %mul3A_88 : vector<32x32xf32>
    %add3A_90 = arith.addf %add3A_78, %mul3A_89 : vector<32x32xf32>
    %sub3A_91 = arith.constant 2 : i32
    %sub3A_92 = vector.broadcast %sub3A_91 : i32 to vector<32x32xi32>
    %sub3A_93 = arith.subi %iota3A_39, %sub3A_92 : vector<32x32xi32>
    %abs3A_94 = math.absi %sub3A_93 : vector<32x32xi32>
    %gt3A_95 = arith.cmpi sgt, %abs3A_94, %abs3A : vector<32x32xi32>
    %convert_element_type3A_96 = arith.extui %gt3A_95 : vector<32x32xi1> to vector<32x32xi32>
    %convert_element_type3A_97 = arith.sitofp %convert_element_type3A_96 : vector<32x32xi32> to vector<32x32xf32>
    %slice3A_98 = vector.extract_strided_slice %dot_general3A_30 {offsets = [2, 0], sizes = [1, 1], strides = [1, 1]} : vector<32x1xf32> to vector<1x1xf32>
    %squeeze3A_99 = vector.extract %slice3A_98[0, 0] : f32 from vector<1x1xf32>
    %mul3A_100 = vector.broadcast %squeeze3A_99 : f32 to vector<32x32xf32>
    %mul3A_101 = arith.mulf %convert_element_type3A_97, %mul3A_100 : vector<32x32xf32>
    %add3A_102 = arith.addf %add3A_90, %mul3A_101 : vector<32x32xf32>
    %sub3A_103 = arith.constant 3 : i32
    %sub3A_104 = vector.broadcast %sub3A_103 : i32 to vector<32x32xi32>
    %sub3A_105 = arith.subi %iota3A_39, %sub3A_104 : vector<32x32xi32>
    %abs3A_106 = math.absi %sub3A_105 : vector<32x32xi32>
    %gt3A_107 = arith.cmpi sgt, %abs3A_106, %abs3A : vector<32x32xi32>
    %convert_element_type3A_108 = arith.extui %gt3A_107 : vector<32x32xi1> to vector<32x32xi32>
    %convert_element_type3A_109 = arith.sitofp %convert_element_type3A_108 : vector<32x32xi32> to vector<32x32xf32>
    %slice3A_110 = vector.extract_strided_slice %dot_general3A_30 {offsets = [3, 0], sizes = [1, 1], strides = [1, 1]} : vector<32x1xf32> to vector<1x1xf32>
    %squeeze3A_111 = vector.extract %slice3A_110[0, 0] : f32 from vector<1x1xf32>
    %mul3A_112 = vector.broadcast %squeeze3A_111 : f32 to vector<32x32xf32>
    %mul3A_113 = arith.mulf %convert_element_type3A_109, %mul3A_112 : vector<32x32xf32>
    %add3A_114 = arith.addf %add3A_102, %mul3A_113 : vector<32x32xf32>
    %sub3A_115 = arith.constant 4 : i32
    %sub3A_116 = vector.broadcast %sub3A_115 : i32 to vector<32x32xi32>
    %sub3A_117 = arith.subi %iota3A_39, %sub3A_116 : vector<32x32xi32>
    %abs3A_118 = math.absi %sub3A_117 : vector<32x32xi32>
    %gt3A_119 = arith.cmpi sgt, %abs3A_118, %abs3A : vector<32x32xi32>
    %convert_element_type3A_120 = arith.extui %gt3A_119 : vector<32x32xi1> to vector<32x32xi32>
    %convert_element_type3A_121 = arith.sitofp %convert_element_type3A_120 : vector<32x32xi32> to vector<32x32xf32>
    %slice3A_122 = vector.extract_strided_slice %dot_general3A_30 {offsets = [4, 0], sizes = [1, 1], strides = [1, 1]} : vector<32x1xf32> to vector<1x1xf32>
    %squeeze3A_123 = vector.extract %slice3A_122[0, 0] : f32 from vector<1x1xf32>
    %mul3A_124 = vector.broadcast %squeeze3A_123 : f32 to vector<32x32xf32>
    %mul3A_125 = arith.mulf %convert_element_type3A_121, %mul3A_124 : vector<32x32xf32>
    %add3A_126 = arith.addf %add3A_114, %mul3A_125 : vector<32x32xf32>
    %sub3A_127 = arith.constant 5 : i32
    %sub3A_128 = vector.broadcast %sub3A_127 : i32 to vector<32x32xi32>
    %sub3A_129 = arith.subi %iota3A_39, %sub3A_128 : vector<32x32xi32>
    %abs3A_130 = math.absi %sub3A_129 : vector<32x32xi32>
    %gt3A_131 = arith.cmpi sgt, %abs3A_130, %abs3A : vector<32x32xi32>
    %convert_element_type3A_132 = arith.extui %gt3A_131 : vector<32x32xi1> to vector<32x32xi32>
    %convert_element_type3A_133 = arith.sitofp %convert_element_type3A_132 : vector<32x32xi32> to vector<32x32xf32>
    %slice3A_134 = vector.extract_strided_slice %dot_general3A_30 {offsets = [5, 0], sizes = [1, 1], strides = [1, 1]} : vector<32x1xf32> to vector<1x1xf32>
    %squeeze3A_135 = vector.extract %slice3A_134[0, 0] : f32 from vector<1x1xf32>
    %mul3A_136 = vector.broadcast %squeeze3A_135 : f32 to vector<32x32xf32>
    %mul3A_137 = arith.mulf %convert_element_type3A_133, %mul3A_136 : vector<32x32xf32>
    %add3A_138 = arith.addf %add3A_126, %mul3A_137 : vector<32x32xf32>
    %sub3A_139 = arith.constant 6 : i32
    %sub3A_140 = vector.broadcast %sub3A_139 : i32 to vector<32x32xi32>
    %sub3A_141 = arith.subi %iota3A_39, %sub3A_140 : vector<32x32xi32>
    %abs3A_142 = math.absi %sub3A_141 : vector<32x32xi32>
    %gt3A_143 = arith.cmpi sgt, %abs3A_142, %abs3A : vector<32x32xi32>
    %convert_element_type3A_144 = arith.extui %gt3A_143 : vector<32x32xi1> to vector<32x32xi32>
    %convert_element_type3A_145 = arith.sitofp %convert_element_type3A_144 : vector<32x32xi32> to vector<32x32xf32>
    %slice3A_146 = vector.extract_strided_slice %dot_general3A_30 {offsets = [6, 0], sizes = [1, 1], strides = [1, 1]} : vector<32x1xf32> to vector<1x1xf32>
    %squeeze3A_147 = vector.extract %slice3A_146[0, 0] : f32 from vector<1x1xf32>
    %mul3A_148 = vector.broadcast %squeeze3A_147 : f32 to vector<32x32xf32>
    %mul3A_149 = arith.mulf %convert_element_type3A_145, %mul3A_148 : vector<32x32xf32>
    %add3A_150 = arith.addf %add3A_138, %mul3A_149 : vector<32x32xf32>
    %sub3A_151 = arith.constant 7 : i32
    %sub3A_152 = vector.broadcast %sub3A_151 : i32 to vector<32x32xi32>
    %sub3A_153 = arith.subi %iota3A_39, %sub3A_152 : vector<32x32xi32>
    %abs3A_154 = math.absi %sub3A_153 : vector<32x32xi32>
    %gt3A_155 = arith.cmpi sgt, %abs3A_154, %abs3A : vector<32x32xi32>
    %convert_element_type3A_156 = arith.extui %gt3A_155 : vector<32x32xi1> to vector<32x32xi32>
    %convert_element_type3A_157 = arith.sitofp %convert_element_type3A_156 : vector<32x32xi32> to vector<32x32xf32>
    %slice3A_158 = vector.extract_strided_slice %dot_general3A_30 {offsets = [7, 0], sizes = [1, 1], strides = [1, 1]} : vector<32x1xf32> to vector<1x1xf32>
    %squeeze3A_159 = vector.extract %slice3A_158[0, 0] : f32 from vector<1x1xf32>
    %mul3A_160 = vector.broadcast %squeeze3A_159 : f32 to vector<32x32xf32>
    %mul3A_161 = arith.mulf %convert_element_type3A_157, %mul3A_160 : vector<32x32xf32>
    %add3A_162 = arith.addf %add3A_150, %mul3A_161 : vector<32x32xf32>
    %sub3A_163 = arith.constant 8 : i32
    %sub3A_164 = vector.broadcast %sub3A_163 : i32 to vector<32x32xi32>
    %sub3A_165 = arith.subi %iota3A_39, %sub3A_164 : vector<32x32xi32>
    %abs3A_166 = math.absi %sub3A_165 : vector<32x32xi32>
    %gt3A_167 = arith.cmpi sgt, %abs3A_166, %abs3A : vector<32x32xi32>
    %convert_element_type3A_168 = arith.extui %gt3A_167 : vector<32x32xi1> to vector<32x32xi32>
    %convert_element_type3A_169 = arith.sitofp %convert_element_type3A_168 : vector<32x32xi32> to vector<32x32xf32>
    %slice3A_170 = vector.extract_strided_slice %dot_general3A_30 {offsets = [8, 0], sizes = [1, 1], strides = [1, 1]} : vector<32x1xf32> to vector<1x1xf32>
    %squeeze3A_171 = vector.extract %slice3A_170[0, 0] : f32 from vector<1x1xf32>
    %mul3A_172 = vector.broadcast %squeeze3A_171 : f32 to vector<32x32xf32>
    %mul3A_173 = arith.mulf %convert_element_type3A_169, %mul3A_172 : vector<32x32xf32>
    %add3A_174 = arith.addf %add3A_162, %mul3A_173 : vector<32x32xf32>
    %sub3A_175 = arith.constant 9 : i32
    %sub3A_176 = vector.broadcast %sub3A_175 : i32 to vector<32x32xi32>
    %sub3A_177 = arith.subi %iota3A_39, %sub3A_176 : vector<32x32xi32>
    %abs3A_178 = math.absi %sub3A_177 : vector<32x32xi32>
    %gt3A_179 = arith.cmpi sgt, %abs3A_178, %abs3A : vector<32x32xi32>
    %convert_element_type3A_180 = arith.extui %gt3A_179 : vector<32x32xi1> to vector<32x32xi32>
    %convert_element_type3A_181 = arith.sitofp %convert_element_type3A_180 : vector<32x32xi32> to vector<32x32xf32>
    %slice3A_182 = vector.extract_strided_slice %dot_general3A_30 {offsets = [9, 0], sizes = [1, 1], strides = [1, 1]} : vector<32x1xf32> to vector<1x1xf32>
    %squeeze3A_183 = vector.extract %slice3A_182[0, 0] : f32 from vector<1x1xf32>
    %mul3A_184 = vector.broadcast %squeeze3A_183 : f32 to vector<32x32xf32>
    %mul3A_185 = arith.mulf %convert_element_type3A_181, %mul3A_184 : vector<32x32xf32>
    %add3A_186 = arith.addf %add3A_174, %mul3A_185 : vector<32x32xf32>
    %sub3A_187 = arith.constant 10 : i32
    %sub3A_188 = vector.broadcast %sub3A_187 : i32 to vector<32x32xi32>
    %sub3A_189 = arith.subi %iota3A_39, %sub3A_188 : vector<32x32xi32>
    %abs3A_190 = math.absi %sub3A_189 : vector<32x32xi32>
    %gt3A_191 = arith.cmpi sgt, %abs3A_190, %abs3A : vector<32x32xi32>
    %convert_element_type3A_192 = arith.extui %gt3A_191 : vector<32x32xi1> to vector<32x32xi32>
    %convert_element_type3A_193 = arith.sitofp %convert_element_type3A_192 : vector<32x32xi32> to vector<32x32xf32>
    %slice3A_194 = vector.extract_strided_slice %dot_general3A_30 {offsets = [10, 0], sizes = [1, 1], strides = [1, 1]} : vector<32x1xf32> to vector<1x1xf32>
    %squeeze3A_195 = vector.extract %slice3A_194[0, 0] : f32 from vector<1x1xf32>
    %mul3A_196 = vector.broadcast %squeeze3A_195 : f32 to vector<32x32xf32>
    %mul3A_197 = arith.mulf %convert_element_type3A_193, %mul3A_196 : vector<32x32xf32>
    %add3A_198 = arith.addf %add3A_186, %mul3A_197 : vector<32x32xf32>
    %sub3A_199 = arith.constant 11 : i32
    %sub3A_200 = vector.broadcast %sub3A_199 : i32 to vector<32x32xi32>
    %sub3A_201 = arith.subi %iota3A_39, %sub3A_200 : vector<32x32xi32>
    %abs3A_202 = math.absi %sub3A_201 : vector<32x32xi32>
    %gt3A_203 = arith.cmpi sgt, %abs3A_202, %abs3A : vector<32x32xi32>
    %convert_element_type3A_204 = arith.extui %gt3A_203 : vector<32x32xi1> to vector<32x32xi32>
    %convert_element_type3A_205 = arith.sitofp %convert_element_type3A_204 : vector<32x32xi32> to vector<32x32xf32>
    %slice3A_206 = vector.extract_strided_slice %dot_general3A_30 {offsets = [11, 0], sizes = [1, 1], strides = [1, 1]} : vector<32x1xf32> to vector<1x1xf32>
    %squeeze3A_207 = vector.extract %slice3A_206[0, 0] : f32 from vector<1x1xf32>
    %mul3A_208 = vector.broadcast %squeeze3A_207 : f32 to vector<32x32xf32>
    %mul3A_209 = arith.mulf %convert_element_type3A_205, %mul3A_208 : vector<32x32xf32>
    %add3A_210 = arith.addf %add3A_198, %mul3A_209 : vector<32x32xf32>
    %sub3A_211 = arith.constant 12 : i32
    %sub3A_212 = vector.broadcast %sub3A_211 : i32 to vector<32x32xi32>
    %sub3A_213 = arith.subi %iota3A_39, %sub3A_212 : vector<32x32xi32>
    %abs3A_214 = math.absi %sub3A_213 : vector<32x32xi32>
    %gt3A_215 = arith.cmpi sgt, %abs3A_214, %abs3A : vector<32x32xi32>
    %convert_element_type3A_216 = arith.extui %gt3A_215 : vector<32x32xi1> to vector<32x32xi32>
    %convert_element_type3A_217 = arith.sitofp %convert_element_type3A_216 : vector<32x32xi32> to vector<32x32xf32>
    %slice3A_218 = vector.extract_strided_slice %dot_general3A_30 {offsets = [12, 0], sizes = [1, 1], strides = [1, 1]} : vector<32x1xf32> to vector<1x1xf32>
    %squeeze3A_219 = vector.extract %slice3A_218[0, 0] : f32 from vector<1x1xf32>
    %mul3A_220 = vector.broadcast %squeeze3A_219 : f32 to vector<32x32xf32>
    %mul3A_221 = arith.mulf %convert_element_type3A_217, %mul3A_220 : vector<32x32xf32>
    %add3A_222 = arith.addf %add3A_210, %mul3A_221 : vector<32x32xf32>
    %sub3A_223 = arith.constant 13 : i32
    %sub3A_224 = vector.broadcast %sub3A_223 : i32 to vector<32x32xi32>
    %sub3A_225 = arith.subi %iota3A_39, %sub3A_224 : vector<32x32xi32>
    %abs3A_226 = math.absi %sub3A_225 : vector<32x32xi32>
    %gt3A_227 = arith.cmpi sgt, %abs3A_226, %abs3A : vector<32x32xi32>
    %convert_element_type3A_228 = arith.extui %gt3A_227 : vector<32x32xi1> to vector<32x32xi32>
    %convert_element_type3A_229 = arith.sitofp %convert_element_type3A_228 : vector<32x32xi32> to vector<32x32xf32>
    %slice3A_230 = vector.extract_strided_slice %dot_general3A_30 {offsets = [13, 0], sizes = [1, 1], strides = [1, 1]} : vector<32x1xf32> to vector<1x1xf32>
    %squeeze3A_231 = vector.extract %slice3A_230[0, 0] : f32 from vector<1x1xf32>
    %mul3A_232 = vector.broadcast %squeeze3A_231 : f32 to vector<32x32xf32>
    %mul3A_233 = arith.mulf %convert_element_type3A_229, %mul3A_232 : vector<32x32xf32>
    %add3A_234 = arith.addf %add3A_222, %mul3A_233 : vector<32x32xf32>
    %sub3A_235 = arith.constant 14 : i32
    %sub3A_236 = vector.broadcast %sub3A_235 : i32 to vector<32x32xi32>
    %sub3A_237 = arith.subi %iota3A_39, %sub3A_236 : vector<32x32xi32>
    %abs3A_238 = math.absi %sub3A_237 : vector<32x32xi32>
    %gt3A_239 = arith.cmpi sgt, %abs3A_238, %abs3A : vector<32x32xi32>
    %convert_element_type3A_240 = arith.extui %gt3A_239 : vector<32x32xi1> to vector<32x32xi32>
    %convert_element_type3A_241 = arith.sitofp %convert_element_type3A_240 : vector<32x32xi32> to vector<32x32xf32>
    %slice3A_242 = vector.extract_strided_slice %dot_general3A_30 {offsets = [14, 0], sizes = [1, 1], strides = [1, 1]} : vector<32x1xf32> to vector<1x1xf32>
    %squeeze3A_243 = vector.extract %slice3A_242[0, 0] : f32 from vector<1x1xf32>
    %mul3A_244 = vector.broadcast %squeeze3A_243 : f32 to vector<32x32xf32>
    %mul3A_245 = arith.mulf %convert_element_type3A_241, %mul3A_244 : vector<32x32xf32>
    %add3A_246 = arith.addf %add3A_234, %mul3A_245 : vector<32x32xf32>
    %sub3A_247 = arith.constant 15 : i32
    %sub3A_248 = vector.broadcast %sub3A_247 : i32 to vector<32x32xi32>
    %sub3A_249 = arith.subi %iota3A_39, %sub3A_248 : vector<32x32xi32>
    %abs3A_250 = math.absi %sub3A_249 : vector<32x32xi32>
    %gt3A_251 = arith.cmpi sgt, %abs3A_250, %abs3A : vector<32x32xi32>
    %convert_element_type3A_252 = arith.extui %gt3A_251 : vector<32x32xi1> to vector<32x32xi32>
    %convert_element_type3A_253 = arith.sitofp %convert_element_type3A_252 : vector<32x32xi32> to vector<32x32xf32>
    %slice3A_254 = vector.extract_strided_slice %dot_general3A_30 {offsets = [15, 0], sizes = [1, 1], strides = [1, 1]} : vector<32x1xf32> to vector<1x1xf32>
    %squeeze3A_255 = vector.extract %slice3A_254[0, 0] : f32 from vector<1x1xf32>
    %mul3A_256 = vector.broadcast %squeeze3A_255 : f32 to vector<32x32xf32>
    %mul3A_257 = arith.mulf %convert_element_type3A_253, %mul3A_256 : vector<32x32xf32>
    %add3A_258 = arith.addf %add3A_246, %mul3A_257 : vector<32x32xf32>
    %sub3A_259 = arith.constant 16 : i32
    %sub3A_260 = vector.broadcast %sub3A_259 : i32 to vector<32x32xi32>
    %sub3A_261 = arith.subi %iota3A_39, %sub3A_260 : vector<32x32xi32>
    %abs3A_262 = math.absi %sub3A_261 : vector<32x32xi32>
    %gt3A_263 = arith.cmpi sgt, %abs3A_262, %abs3A : vector<32x32xi32>
    %convert_element_type3A_264 = arith.extui %gt3A_263 : vector<32x32xi1> to vector<32x32xi32>
    %convert_element_type3A_265 = arith.sitofp %convert_element_type3A_264 : vector<32x32xi32> to vector<32x32xf32>
    %slice3A_266 = vector.extract_strided_slice %dot_general3A_30 {offsets = [16, 0], sizes = [1, 1], strides = [1, 1]} : vector<32x1xf32> to vector<1x1xf32>
    %squeeze3A_267 = vector.extract %slice3A_266[0, 0] : f32 from vector<1x1xf32>
    %mul3A_268 = vector.broadcast %squeeze3A_267 : f32 to vector<32x32xf32>
    %mul3A_269 = arith.mulf %convert_element_type3A_265, %mul3A_268 : vector<32x32xf32>
    %add3A_270 = arith.addf %add3A_258, %mul3A_269 : vector<32x32xf32>
    %sub3A_271 = arith.constant 17 : i32
    %sub3A_272 = vector.broadcast %sub3A_271 : i32 to vector<32x32xi32>
    %sub3A_273 = arith.subi %iota3A_39, %sub3A_272 : vector<32x32xi32>
    %abs3A_274 = math.absi %sub3A_273 : vector<32x32xi32>
    %gt3A_275 = arith.cmpi sgt, %abs3A_274, %abs3A : vector<32x32xi32>
    %convert_element_type3A_276 = arith.extui %gt3A_275 : vector<32x32xi1> to vector<32x32xi32>
    %convert_element_type3A_277 = arith.sitofp %convert_element_type3A_276 : vector<32x32xi32> to vector<32x32xf32>
    %slice3A_278 = vector.extract_strided_slice %dot_general3A_30 {offsets = [17, 0], sizes = [1, 1], strides = [1, 1]} : vector<32x1xf32> to vector<1x1xf32>
    %squeeze3A_279 = vector.extract %slice3A_278[0, 0] : f32 from vector<1x1xf32>
    %mul3A_280 = vector.broadcast %squeeze3A_279 : f32 to vector<32x32xf32>
    %mul3A_281 = arith.mulf %convert_element_type3A_277, %mul3A_280 : vector<32x32xf32>
    %add3A_282 = arith.addf %add3A_270, %mul3A_281 : vector<32x32xf32>
    %sub3A_283 = arith.constant 18 : i32
    %sub3A_284 = vector.broadcast %sub3A_283 : i32 to vector<32x32xi32>
    %sub3A_285 = arith.subi %iota3A_39, %sub3A_284 : vector<32x32xi32>
    %abs3A_286 = math.absi %sub3A_285 : vector<32x32xi32>
    %gt3A_287 = arith.cmpi sgt, %abs3A_286, %abs3A : vector<32x32xi32>
    %convert_element_type3A_288 = arith.extui %gt3A_287 : vector<32x32xi1> to vector<32x32xi32>
    %convert_element_type3A_289 = arith.sitofp %convert_element_type3A_288 : vector<32x32xi32> to vector<32x32xf32>
    %slice3A_290 = vector.extract_strided_slice %dot_general3A_30 {offsets = [18, 0], sizes = [1, 1], strides = [1, 1]} : vector<32x1xf32> to vector<1x1xf32>
    %squeeze3A_291 = vector.extract %slice3A_290[0, 0] : f32 from vector<1x1xf32>
    %mul3A_292 = vector.broadcast %squeeze3A_291 : f32 to vector<32x32xf32>
    %mul3A_293 = arith.mulf %convert_element_type3A_289, %mul3A_292 : vector<32x32xf32>
    %add3A_294 = arith.addf %add3A_282, %mul3A_293 : vector<32x32xf32>
    %sub3A_295 = arith.constant 19 : i32
    %sub3A_296 = vector.broadcast %sub3A_295 : i32 to vector<32x32xi32>
    %sub3A_297 = arith.subi %iota3A_39, %sub3A_296 : vector<32x32xi32>
    %abs3A_298 = math.absi %sub3A_297 : vector<32x32xi32>
    %gt3A_299 = arith.cmpi sgt, %abs3A_298, %abs3A : vector<32x32xi32>
    %convert_element_type3A_300 = arith.extui %gt3A_299 : vector<32x32xi1> to vector<32x32xi32>
    %convert_element_type3A_301 = arith.sitofp %convert_element_type3A_300 : vector<32x32xi32> to vector<32x32xf32>
    %slice3A_302 = vector.extract_strided_slice %dot_general3A_30 {offsets = [19, 0], sizes = [1, 1], strides = [1, 1]} : vector<32x1xf32> to vector<1x1xf32>
    %squeeze3A_303 = vector.extract %slice3A_302[0, 0] : f32 from vector<1x1xf32>
    %mul3A_304 = vector.broadcast %squeeze3A_303 : f32 to vector<32x32xf32>
    %mul3A_305 = arith.mulf %convert_element_type3A_301, %mul3A_304 : vector<32x32xf32>
    %add3A_306 = arith.addf %add3A_294, %mul3A_305 : vector<32x32xf32>
    %sub3A_307 = arith.constant 20 : i32
    %sub3A_308 = vector.broadcast %sub3A_307 : i32 to vector<32x32xi32>
    %sub3A_309 = arith.subi %iota3A_39, %sub3A_308 : vector<32x32xi32>
    %abs3A_310 = math.absi %sub3A_309 : vector<32x32xi32>
    %gt3A_311 = arith.cmpi sgt, %abs3A_310, %abs3A : vector<32x32xi32>
    %convert_element_type3A_312 = arith.extui %gt3A_311 : vector<32x32xi1> to vector<32x32xi32>
    %convert_element_type3A_313 = arith.sitofp %convert_element_type3A_312 : vector<32x32xi32> to vector<32x32xf32>
    %slice3A_314 = vector.extract_strided_slice %dot_general3A_30 {offsets = [20, 0], sizes = [1, 1], strides = [1, 1]} : vector<32x1xf32> to vector<1x1xf32>
    %squeeze3A_315 = vector.extract %slice3A_314[0, 0] : f32 from vector<1x1xf32>
    %mul3A_316 = vector.broadcast %squeeze3A_315 : f32 to vector<32x32xf32>
    %mul3A_317 = arith.mulf %convert_element_type3A_313, %mul3A_316 : vector<32x32xf32>
    %add3A_318 = arith.addf %add3A_306, %mul3A_317 : vector<32x32xf32>
    %sub3A_319 = arith.constant 21 : i32
    %sub3A_320 = vector.broadcast %sub3A_319 : i32 to vector<32x32xi32>
    %sub3A_321 = arith.subi %iota3A_39, %sub3A_320 : vector<32x32xi32>
    %abs3A_322 = math.absi %sub3A_321 : vector<32x32xi32>
    %gt3A_323 = arith.cmpi sgt, %abs3A_322, %abs3A : vector<32x32xi32>
    %convert_element_type3A_324 = arith.extui %gt3A_323 : vector<32x32xi1> to vector<32x32xi32>
    %convert_element_type3A_325 = arith.sitofp %convert_element_type3A_324 : vector<32x32xi32> to vector<32x32xf32>
    %slice3A_326 = vector.extract_strided_slice %dot_general3A_30 {offsets = [21, 0], sizes = [1, 1], strides = [1, 1]} : vector<32x1xf32> to vector<1x1xf32>
    %squeeze3A_327 = vector.extract %slice3A_326[0, 0] : f32 from vector<1x1xf32>
    %mul3A_328 = vector.broadcast %squeeze3A_327 : f32 to vector<32x32xf32>
    %mul3A_329 = arith.mulf %convert_element_type3A_325, %mul3A_328 : vector<32x32xf32>
    %add3A_330 = arith.addf %add3A_318, %mul3A_329 : vector<32x32xf32>
    %sub3A_331 = arith.constant 22 : i32
    %sub3A_332 = vector.broadcast %sub3A_331 : i32 to vector<32x32xi32>
    %sub3A_333 = arith.subi %iota3A_39, %sub3A_332 : vector<32x32xi32>
    %abs3A_334 = math.absi %sub3A_333 : vector<32x32xi32>
    %gt3A_335 = arith.cmpi sgt, %abs3A_334, %abs3A : vector<32x32xi32>
    %convert_element_type3A_336 = arith.extui %gt3A_335 : vector<32x32xi1> to vector<32x32xi32>
    %convert_element_type3A_337 = arith.sitofp %convert_element_type3A_336 : vector<32x32xi32> to vector<32x32xf32>
    %slice3A_338 = vector.extract_strided_slice %dot_general3A_30 {offsets = [22, 0], sizes = [1, 1], strides = [1, 1]} : vector<32x1xf32> to vector<1x1xf32>
    %squeeze3A_339 = vector.extract %slice3A_338[0, 0] : f32 from vector<1x1xf32>
    %mul3A_340 = vector.broadcast %squeeze3A_339 : f32 to vector<32x32xf32>
    %mul3A_341 = arith.mulf %convert_element_type3A_337, %mul3A_340 : vector<32x32xf32>
    %add3A_342 = arith.addf %add3A_330, %mul3A_341 : vector<32x32xf32>
    %sub3A_343 = arith.constant 23 : i32
    %sub3A_344 = vector.broadcast %sub3A_343 : i32 to vector<32x32xi32>
    %sub3A_345 = arith.subi %iota3A_39, %sub3A_344 : vector<32x32xi32>
    %abs3A_346 = math.absi %sub3A_345 : vector<32x32xi32>
    %gt3A_347 = arith.cmpi sgt, %abs3A_346, %abs3A : vector<32x32xi32>
    %convert_element_type3A_348 = arith.extui %gt3A_347 : vector<32x32xi1> to vector<32x32xi32>
    %convert_element_type3A_349 = arith.sitofp %convert_element_type3A_348 : vector<32x32xi32> to vector<32x32xf32>
    %slice3A_350 = vector.extract_strided_slice %dot_general3A_30 {offsets = [23, 0], sizes = [1, 1], strides = [1, 1]} : vector<32x1xf32> to vector<1x1xf32>
    %squeeze3A_351 = vector.extract %slice3A_350[0, 0] : f32 from vector<1x1xf32>
    %mul3A_352 = vector.broadcast %squeeze3A_351 : f32 to vector<32x32xf32>
    %mul3A_353 = arith.mulf %convert_element_type3A_349, %mul3A_352 : vector<32x32xf32>
    %add3A_354 = arith.addf %add3A_342, %mul3A_353 : vector<32x32xf32>
    %sub3A_355 = arith.constant 24 : i32
    %sub3A_356 = vector.broadcast %sub3A_355 : i32 to vector<32x32xi32>
    %sub3A_357 = arith.subi %iota3A_39, %sub3A_356 : vector<32x32xi32>
    %abs3A_358 = math.absi %sub3A_357 : vector<32x32xi32>
    %gt3A_359 = arith.cmpi sgt, %abs3A_358, %abs3A : vector<32x32xi32>
    %convert_element_type3A_360 = arith.extui %gt3A_359 : vector<32x32xi1> to vector<32x32xi32>
    %convert_element_type3A_361 = arith.sitofp %convert_element_type3A_360 : vector<32x32xi32> to vector<32x32xf32>
    %slice3A_362 = vector.extract_strided_slice %dot_general3A_30 {offsets = [24, 0], sizes = [1, 1], strides = [1, 1]} : vector<32x1xf32> to vector<1x1xf32>
    %squeeze3A_363 = vector.extract %slice3A_362[0, 0] : f32 from vector<1x1xf32>
    %mul3A_364 = vector.broadcast %squeeze3A_363 : f32 to vector<32x32xf32>
    %mul3A_365 = arith.mulf %convert_element_type3A_361, %mul3A_364 : vector<32x32xf32>
    %add3A_366 = arith.addf %add3A_354, %mul3A_365 : vector<32x32xf32>
    %sub3A_367 = arith.constant 25 : i32
    %sub3A_368 = vector.broadcast %sub3A_367 : i32 to vector<32x32xi32>
    %sub3A_369 = arith.subi %iota3A_39, %sub3A_368 : vector<32x32xi32>
    %abs3A_370 = math.absi %sub3A_369 : vector<32x32xi32>
    %gt3A_371 = arith.cmpi sgt, %abs3A_370, %abs3A : vector<32x32xi32>
    %convert_element_type3A_372 = arith.extui %gt3A_371 : vector<32x32xi1> to vector<32x32xi32>
    %convert_element_type3A_373 = arith.sitofp %convert_element_type3A_372 : vector<32x32xi32> to vector<32x32xf32>
    %slice3A_374 = vector.extract_strided_slice %dot_general3A_30 {offsets = [25, 0], sizes = [1, 1], strides = [1, 1]} : vector<32x1xf32> to vector<1x1xf32>
    %squeeze3A_375 = vector.extract %slice3A_374[0, 0] : f32 from vector<1x1xf32>
    %mul3A_376 = vector.broadcast %squeeze3A_375 : f32 to vector<32x32xf32>
    %mul3A_377 = arith.mulf %convert_element_type3A_373, %mul3A_376 : vector<32x32xf32>
    %add3A_378 = arith.addf %add3A_366, %mul3A_377 : vector<32x32xf32>
    %sub3A_379 = arith.constant 26 : i32
    %sub3A_380 = vector.broadcast %sub3A_379 : i32 to vector<32x32xi32>
    %sub3A_381 = arith.subi %iota3A_39, %sub3A_380 : vector<32x32xi32>
    %abs3A_382 = math.absi %sub3A_381 : vector<32x32xi32>
    %gt3A_383 = arith.cmpi sgt, %abs3A_382, %abs3A : vector<32x32xi32>
    %convert_element_type3A_384 = arith.extui %gt3A_383 : vector<32x32xi1> to vector<32x32xi32>
    %convert_element_type3A_385 = arith.sitofp %convert_element_type3A_384 : vector<32x32xi32> to vector<32x32xf32>
    %slice3A_386 = vector.extract_strided_slice %dot_general3A_30 {offsets = [26, 0], sizes = [1, 1], strides = [1, 1]} : vector<32x1xf32> to vector<1x1xf32>
    %squeeze3A_387 = vector.extract %slice3A_386[0, 0] : f32 from vector<1x1xf32>
    %mul3A_388 = vector.broadcast %squeeze3A_387 : f32 to vector<32x32xf32>
    %mul3A_389 = arith.mulf %convert_element_type3A_385, %mul3A_388 : vector<32x32xf32>
    %add3A_390 = arith.addf %add3A_378, %mul3A_389 : vector<32x32xf32>
    %sub3A_391 = arith.constant 27 : i32
    %sub3A_392 = vector.broadcast %sub3A_391 : i32 to vector<32x32xi32>
    %sub3A_393 = arith.subi %iota3A_39, %sub3A_392 : vector<32x32xi32>
    %abs3A_394 = math.absi %sub3A_393 : vector<32x32xi32>
    %gt3A_395 = arith.cmpi sgt, %abs3A_394, %abs3A : vector<32x32xi32>
    %convert_element_type3A_396 = arith.extui %gt3A_395 : vector<32x32xi1> to vector<32x32xi32>
    %convert_element_type3A_397 = arith.sitofp %convert_element_type3A_396 : vector<32x32xi32> to vector<32x32xf32>
    %slice3A_398 = vector.extract_strided_slice %dot_general3A_30 {offsets = [27, 0], sizes = [1, 1], strides = [1, 1]} : vector<32x1xf32> to vector<1x1xf32>
    %squeeze3A_399 = vector.extract %slice3A_398[0, 0] : f32 from vector<1x1xf32>
    %mul3A_400 = vector.broadcast %squeeze3A_399 : f32 to vector<32x32xf32>
    %mul3A_401 = arith.mulf %convert_element_type3A_397, %mul3A_400 : vector<32x32xf32>
    %add3A_402 = arith.addf %add3A_390, %mul3A_401 : vector<32x32xf32>
    %sub3A_403 = arith.constant 28 : i32
    %sub3A_404 = vector.broadcast %sub3A_403 : i32 to vector<32x32xi32>
    %sub3A_405 = arith.subi %iota3A_39, %sub3A_404 : vector<32x32xi32>
    %abs3A_406 = math.absi %sub3A_405 : vector<32x32xi32>
    %gt3A_407 = arith.cmpi sgt, %abs3A_406, %abs3A : vector<32x32xi32>
    %convert_element_type3A_408 = arith.extui %gt3A_407 : vector<32x32xi1> to vector<32x32xi32>
    %convert_element_type3A_409 = arith.sitofp %convert_element_type3A_408 : vector<32x32xi32> to vector<32x32xf32>
    %slice3A_410 = vector.extract_strided_slice %dot_general3A_30 {offsets = [28, 0], sizes = [1, 1], strides = [1, 1]} : vector<32x1xf32> to vector<1x1xf32>
    %squeeze3A_411 = vector.extract %slice3A_410[0, 0] : f32 from vector<1x1xf32>
    %mul3A_412 = vector.broadcast %squeeze3A_411 : f32 to vector<32x32xf32>
    %mul3A_413 = arith.mulf %convert_element_type3A_409, %mul3A_412 : vector<32x32xf32>
    %add3A_414 = arith.addf %add3A_402, %mul3A_413 : vector<32x32xf32>
    %sub3A_415 = arith.constant 29 : i32
    %sub3A_416 = vector.broadcast %sub3A_415 : i32 to vector<32x32xi32>
    %sub3A_417 = arith.subi %iota3A_39, %sub3A_416 : vector<32x32xi32>
    %abs3A_418 = math.absi %sub3A_417 : vector<32x32xi32>
    %gt3A_419 = arith.cmpi sgt, %abs3A_418, %abs3A : vector<32x32xi32>
    %convert_element_type3A_420 = arith.extui %gt3A_419 : vector<32x32xi1> to vector<32x32xi32>
    %convert_element_type3A_421 = arith.sitofp %convert_element_type3A_420 : vector<32x32xi32> to vector<32x32xf32>
    %slice3A_422 = vector.extract_strided_slice %dot_general3A_30 {offsets = [29, 0], sizes = [1, 1], strides = [1, 1]} : vector<32x1xf32> to vector<1x1xf32>
    %squeeze3A_423 = vector.extract %slice3A_422[0, 0] : f32 from vector<1x1xf32>
    %mul3A_424 = vector.broadcast %squeeze3A_423 : f32 to vector<32x32xf32>
    %mul3A_425 = arith.mulf %convert_element_type3A_421, %mul3A_424 : vector<32x32xf32>
    %add3A_426 = arith.addf %add3A_414, %mul3A_425 : vector<32x32xf32>
    %sub3A_427 = arith.constant 30 : i32
    %sub3A_428 = vector.broadcast %sub3A_427 : i32 to vector<32x32xi32>
    %sub3A_429 = arith.subi %iota3A_39, %sub3A_428 : vector<32x32xi32>
    %abs3A_430 = math.absi %sub3A_429 : vector<32x32xi32>
    %gt3A_431 = arith.cmpi sgt, %abs3A_430, %abs3A : vector<32x32xi32>
    %convert_element_type3A_432 = arith.extui %gt3A_431 : vector<32x32xi1> to vector<32x32xi32>
    %convert_element_type3A_433 = arith.sitofp %convert_element_type3A_432 : vector<32x32xi32> to vector<32x32xf32>
    %slice3A_434 = vector.extract_strided_slice %dot_general3A_30 {offsets = [30, 0], sizes = [1, 1], strides = [1, 1]} : vector<32x1xf32> to vector<1x1xf32>
    %squeeze3A_435 = vector.extract %slice3A_434[0, 0] : f32 from vector<1x1xf32>
    %mul3A_436 = vector.broadcast %squeeze3A_435 : f32 to vector<32x32xf32>
    %mul3A_437 = arith.mulf %convert_element_type3A_433, %mul3A_436 : vector<32x32xf32>
    %add3A_438 = arith.addf %add3A_426, %mul3A_437 : vector<32x32xf32>
    %sub3A_439 = arith.constant 31 : i32
    %sub3A_440 = vector.broadcast %sub3A_439 : i32 to vector<32x32xi32>
    %sub3A_441 = arith.subi %iota3A_39, %sub3A_440 : vector<32x32xi32>
    %abs3A_442 = math.absi %sub3A_441 : vector<32x32xi32>
    %gt3A_443 = arith.cmpi sgt, %abs3A_442, %abs3A : vector<32x32xi32>
    %convert_element_type3A_444 = arith.extui %gt3A_443 : vector<32x32xi1> to vector<32x32xi32>
    %convert_element_type3A_445 = arith.sitofp %convert_element_type3A_444 : vector<32x32xi32> to vector<32x32xf32>
    %slice3A_446 = vector.extract_strided_slice %dot_general3A_30 {offsets = [31, 0], sizes = [1, 1], strides = [1, 1]} : vector<32x1xf32> to vector<1x1xf32>
    %squeeze3A_447 = vector.extract %slice3A_446[0, 0] : f32 from vector<1x1xf32>
    %mul3A_448 = vector.broadcast %squeeze3A_447 : f32 to vector<32x32xf32>
    %mul3A_449 = arith.mulf %convert_element_type3A_445, %mul3A_448 : vector<32x32xf32>
    %add3A_450 = arith.addf %add3A_438, %mul3A_449 : vector<32x32xf32>
    %broadcast_in_dim3A_451 = arith.constant 0.000000e+00 : f32
    %broadcast_in_dim3A_452 = vector.broadcast %broadcast_in_dim3A_451 : f32 to vector<512x32xf32>
    %mul3A_453 = arith.constant 2 : i32
    %mul3A_454 = vector.broadcast %mul3A_453 : i32 to vector<32x32xi32>
    %mul3A_455 = arith.muli %mul3A_454, %iota3A_40 : vector<32x32xi32>
    %sub3A_456 = arith.constant 0 : i32
    %sub3A_457 = vector.broadcast %sub3A_456 : i32 to vector<32x32xi32>
    %sub3A_458 = arith.subi %mul3A_455, %sub3A_457 : vector<32x32xi32>
    %eq3A_459 = arith.cmpi eq, %iota3A_39, %sub3A_458 : vector<32x32xi32>
    %convert_element_type3A_460 = arith.extui %eq3A_459 : vector<32x32xi1> to vector<32x32xi32>
    %convert_element_type3A_461 = arith.sitofp %convert_element_type3A_460 : vector<32x32xi32> to vector<32x32xf32>
    %dot_general3A_462 = arith.constant dense<0.000000e+00> : vector<512x32xf32>
    %dot_general3A_463 = tpu.matmul %dot_general3A_60, %convert_element_type3A_461, %dot_general3A_462 {dimension_numbers = #tpu.dot_dimension_numbers<[1], [0], [0], [1], [0, 0, 1, 1], [], []>, precision = #tpu.contract_precision<fp32>, transpose_lhs_hint = false} : vector<512x32xf32>, vector<32x32xf32>, vector<512x32xf32> -> vector<512x32xf32>
    %slice3A_464 = vector.extract_strided_slice %dot_general3A_58 {offsets = [0, 0], sizes = [512, 1], strides = [1, 1]} : vector<512x32xf32> to vector<512x1xf32>
    %mul3A_465 = vector.broadcast %slice3A_464 : vector<512x1xf32> to vector<512x32xf32>
    %mul3A_466 = arith.mulf %mul3A_465, %dot_general3A_463 : vector<512x32xf32>
    %add3A_467 = arith.addf %broadcast_in_dim3A_452, %mul3A_466 : vector<512x32xf32>
    %mul3A_468 = arith.constant 2 : i32
    %mul3A_469 = vector.broadcast %mul3A_468 : i32 to vector<32x32xi32>
    %mul3A_470 = arith.muli %mul3A_469, %iota3A_40 : vector<32x32xi32>
    %sub3A_471 = arith.constant 1 : i32
    %sub3A_472 = vector.broadcast %sub3A_471 : i32 to vector<32x32xi32>
    %sub3A_473 = arith.subi %mul3A_470, %sub3A_472 : vector<32x32xi32>
    %eq3A_474 = arith.cmpi eq, %iota3A_39, %sub3A_473 : vector<32x32xi32>
    %convert_element_type3A_475 = arith.extui %eq3A_474 : vector<32x32xi1> to vector<32x32xi32>
    %convert_element_type3A_476 = arith.sitofp %convert_element_type3A_475 : vector<32x32xi32> to vector<32x32xf32>
    %dot_general3A_477 = arith.constant dense<0.000000e+00> : vector<512x32xf32>
    %dot_general3A_478 = tpu.matmul %dot_general3A_60, %convert_element_type3A_476, %dot_general3A_477 {dimension_numbers = #tpu.dot_dimension_numbers<[1], [0], [0], [1], [0, 0, 1, 1], [], []>, precision = #tpu.contract_precision<fp32>, transpose_lhs_hint = false} : vector<512x32xf32>, vector<32x32xf32>, vector<512x32xf32> -> vector<512x32xf32>
    %slice3A_479 = vector.extract_strided_slice %dot_general3A_58 {offsets = [0, 1], sizes = [512, 1], strides = [1, 1]} : vector<512x32xf32> to vector<512x1xf32>
    %mul3A_480 = vector.broadcast %slice3A_479 : vector<512x1xf32> to vector<512x32xf32>
    %mul3A_481 = arith.mulf %mul3A_480, %dot_general3A_478 : vector<512x32xf32>
    %add3A_482 = arith.addf %add3A_467, %mul3A_481 : vector<512x32xf32>
    %mul3A_483 = arith.constant 2 : i32
    %mul3A_484 = vector.broadcast %mul3A_483 : i32 to vector<32x32xi32>
    %mul3A_485 = arith.muli %mul3A_484, %iota3A_40 : vector<32x32xi32>
    %sub3A_486 = arith.constant 2 : i32
    %sub3A_487 = vector.broadcast %sub3A_486 : i32 to vector<32x32xi32>
    %sub3A_488 = arith.subi %mul3A_485, %sub3A_487 : vector<32x32xi32>
    %eq3A_489 = arith.cmpi eq, %iota3A_39, %sub3A_488 : vector<32x32xi32>
    %convert_element_type3A_490 = arith.extui %eq3A_489 : vector<32x32xi1> to vector<32x32xi32>
    %convert_element_type3A_491 = arith.sitofp %convert_element_type3A_490 : vector<32x32xi32> to vector<32x32xf32>
    %dot_general3A_492 = arith.constant dense<0.000000e+00> : vector<512x32xf32>
    %dot_general3A_493 = tpu.matmul %dot_general3A_60, %convert_element_type3A_491, %dot_general3A_492 {dimension_numbers = #tpu.dot_dimension_numbers<[1], [0], [0], [1], [0, 0, 1, 1], [], []>, precision = #tpu.contract_precision<fp32>, transpose_lhs_hint = false} : vector<512x32xf32>, vector<32x32xf32>, vector<512x32xf32> -> vector<512x32xf32>
    %slice3A_494 = vector.extract_strided_slice %dot_general3A_58 {offsets = [0, 2], sizes = [512, 1], strides = [1, 1]} : vector<512x32xf32> to vector<512x1xf32>
    %mul3A_495 = vector.broadcast %slice3A_494 : vector<512x1xf32> to vector<512x32xf32>
    %mul3A_496 = arith.mulf %mul3A_495, %dot_general3A_493 : vector<512x32xf32>
    %add3A_497 = arith.addf %add3A_482, %mul3A_496 : vector<512x32xf32>
    %mul3A_498 = arith.constant 2 : i32
    %mul3A_499 = vector.broadcast %mul3A_498 : i32 to vector<32x32xi32>
    %mul3A_500 = arith.muli %mul3A_499, %iota3A_40 : vector<32x32xi32>
    %sub3A_501 = arith.constant 3 : i32
    %sub3A_502 = vector.broadcast %sub3A_501 : i32 to vector<32x32xi32>
    %sub3A_503 = arith.subi %mul3A_500, %sub3A_502 : vector<32x32xi32>
    %eq3A_504 = arith.cmpi eq, %iota3A_39, %sub3A_503 : vector<32x32xi32>
    %convert_element_type3A_505 = arith.extui %eq3A_504 : vector<32x32xi1> to vector<32x32xi32>
    %convert_element_type3A_506 = arith.sitofp %convert_element_type3A_505 : vector<32x32xi32> to vector<32x32xf32>
    %dot_general3A_507 = arith.constant dense<0.000000e+00> : vector<512x32xf32>
    %dot_general3A_508 = tpu.matmul %dot_general3A_60, %convert_element_type3A_506, %dot_general3A_507 {dimension_numbers = #tpu.dot_dimension_numbers<[1], [0], [0], [1], [0, 0, 1, 1], [], []>, precision = #tpu.contract_precision<fp32>, transpose_lhs_hint = false} : vector<512x32xf32>, vector<32x32xf32>, vector<512x32xf32> -> vector<512x32xf32>
    %slice3A_509 = vector.extract_strided_slice %dot_general3A_58 {offsets = [0, 3], sizes = [512, 1], strides = [1, 1]} : vector<512x32xf32> to vector<512x1xf32>
    %mul3A_510 = vector.broadcast %slice3A_509 : vector<512x1xf32> to vector<512x32xf32>
    %mul3A_511 = arith.mulf %mul3A_510, %dot_general3A_508 : vector<512x32xf32>
    %add3A_512 = arith.addf %add3A_497, %mul3A_511 : vector<512x32xf32>
    %mul3A_513 = arith.constant 2 : i32
    %mul3A_514 = vector.broadcast %mul3A_513 : i32 to vector<32x32xi32>
    %mul3A_515 = arith.muli %mul3A_514, %iota3A_40 : vector<32x32xi32>
    %sub3A_516 = arith.constant 4 : i32
    %sub3A_517 = vector.broadcast %sub3A_516 : i32 to vector<32x32xi32>
    %sub3A_518 = arith.subi %mul3A_515, %sub3A_517 : vector<32x32xi32>
    %eq3A_519 = arith.cmpi eq, %iota3A_39, %sub3A_518 : vector<32x32xi32>
    %convert_element_type3A_520 = arith.extui %eq3A_519 : vector<32x32xi1> to vector<32x32xi32>
    %convert_element_type3A_521 = arith.sitofp %convert_element_type3A_520 : vector<32x32xi32> to vector<32x32xf32>
    %dot_general3A_522 = arith.constant dense<0.000000e+00> : vector<512x32xf32>
    %dot_general3A_523 = tpu.matmul %dot_general3A_60, %convert_element_type3A_521, %dot_general3A_522 {dimension_numbers = #tpu.dot_dimension_numbers<[1], [0], [0], [1], [0, 0, 1, 1], [], []>, precision = #tpu.contract_precision<fp32>, transpose_lhs_hint = false} : vector<512x32xf32>, vector<32x32xf32>, vector<512x32xf32> -> vector<512x32xf32>
    %slice3A_524 = vector.extract_strided_slice %dot_general3A_58 {offsets = [0, 4], sizes = [512, 1], strides = [1, 1]} : vector<512x32xf32> to vector<512x1xf32>
    %mul3A_525 = vector.broadcast %slice3A_524 : vector<512x1xf32> to vector<512x32xf32>
    %mul3A_526 = arith.mulf %mul3A_525, %dot_general3A_523 : vector<512x32xf32>
    %add3A_527 = arith.addf %add3A_512, %mul3A_526 : vector<512x32xf32>
    %mul3A_528 = arith.constant 2 : i32
    %mul3A_529 = vector.broadcast %mul3A_528 : i32 to vector<32x32xi32>
    %mul3A_530 = arith.muli %mul3A_529, %iota3A_40 : vector<32x32xi32>
    %sub3A_531 = arith.constant 5 : i32
    %sub3A_532 = vector.broadcast %sub3A_531 : i32 to vector<32x32xi32>
    %sub3A_533 = arith.subi %mul3A_530, %sub3A_532 : vector<32x32xi32>
    %eq3A_534 = arith.cmpi eq, %iota3A_39, %sub3A_533 : vector<32x32xi32>
    %convert_element_type3A_535 = arith.extui %eq3A_534 : vector<32x32xi1> to vector<32x32xi32>
    %convert_element_type3A_536 = arith.sitofp %convert_element_type3A_535 : vector<32x32xi32> to vector<32x32xf32>
    %dot_general3A_537 = arith.constant dense<0.000000e+00> : vector<512x32xf32>
    %dot_general3A_538 = tpu.matmul %dot_general3A_60, %convert_element_type3A_536, %dot_general3A_537 {dimension_numbers = #tpu.dot_dimension_numbers<[1], [0], [0], [1], [0, 0, 1, 1], [], []>, precision = #tpu.contract_precision<fp32>, transpose_lhs_hint = false} : vector<512x32xf32>, vector<32x32xf32>, vector<512x32xf32> -> vector<512x32xf32>
    %slice3A_539 = vector.extract_strided_slice %dot_general3A_58 {offsets = [0, 5], sizes = [512, 1], strides = [1, 1]} : vector<512x32xf32> to vector<512x1xf32>
    %mul3A_540 = vector.broadcast %slice3A_539 : vector<512x1xf32> to vector<512x32xf32>
    %mul3A_541 = arith.mulf %mul3A_540, %dot_general3A_538 : vector<512x32xf32>
    %add3A_542 = arith.addf %add3A_527, %mul3A_541 : vector<512x32xf32>
    %mul3A_543 = arith.constant 2 : i32
    %mul3A_544 = vector.broadcast %mul3A_543 : i32 to vector<32x32xi32>
    %mul3A_545 = arith.muli %mul3A_544, %iota3A_40 : vector<32x32xi32>
    %sub3A_546 = arith.constant 6 : i32
    %sub3A_547 = vector.broadcast %sub3A_546 : i32 to vector<32x32xi32>
    %sub3A_548 = arith.subi %mul3A_545, %sub3A_547 : vector<32x32xi32>
    %eq3A_549 = arith.cmpi eq, %iota3A_39, %sub3A_548 : vector<32x32xi32>
    %convert_element_type3A_550 = arith.extui %eq3A_549 : vector<32x32xi1> to vector<32x32xi32>
    %convert_element_type3A_551 = arith.sitofp %convert_element_type3A_550 : vector<32x32xi32> to vector<32x32xf32>
    %dot_general3A_552 = arith.constant dense<0.000000e+00> : vector<512x32xf32>
    %dot_general3A_553 = tpu.matmul %dot_general3A_60, %convert_element_type3A_551, %dot_general3A_552 {dimension_numbers = #tpu.dot_dimension_numbers<[1], [0], [0], [1], [0, 0, 1, 1], [], []>, precision = #tpu.contract_precision<fp32>, transpose_lhs_hint = false} : vector<512x32xf32>, vector<32x32xf32>, vector<512x32xf32> -> vector<512x32xf32>
    %slice3A_554 = vector.extract_strided_slice %dot_general3A_58 {offsets = [0, 6], sizes = [512, 1], strides = [1, 1]} : vector<512x32xf32> to vector<512x1xf32>
    %mul3A_555 = vector.broadcast %slice3A_554 : vector<512x1xf32> to vector<512x32xf32>
    %mul3A_556 = arith.mulf %mul3A_555, %dot_general3A_553 : vector<512x32xf32>
    %add3A_557 = arith.addf %add3A_542, %mul3A_556 : vector<512x32xf32>
    %mul3A_558 = arith.constant 2 : i32
    %mul3A_559 = vector.broadcast %mul3A_558 : i32 to vector<32x32xi32>
    %mul3A_560 = arith.muli %mul3A_559, %iota3A_40 : vector<32x32xi32>
    %sub3A_561 = arith.constant 7 : i32
    %sub3A_562 = vector.broadcast %sub3A_561 : i32 to vector<32x32xi32>
    %sub3A_563 = arith.subi %mul3A_560, %sub3A_562 : vector<32x32xi32>
    %eq3A_564 = arith.cmpi eq, %iota3A_39, %sub3A_563 : vector<32x32xi32>
    %convert_element_type3A_565 = arith.extui %eq3A_564 : vector<32x32xi1> to vector<32x32xi32>
    %convert_element_type3A_566 = arith.sitofp %convert_element_type3A_565 : vector<32x32xi32> to vector<32x32xf32>
    %dot_general3A_567 = arith.constant dense<0.000000e+00> : vector<512x32xf32>
    %dot_general3A_568 = tpu.matmul %dot_general3A_60, %convert_element_type3A_566, %dot_general3A_567 {dimension_numbers = #tpu.dot_dimension_numbers<[1], [0], [0], [1], [0, 0, 1, 1], [], []>, precision = #tpu.contract_precision<fp32>, transpose_lhs_hint = false} : vector<512x32xf32>, vector<32x32xf32>, vector<512x32xf32> -> vector<512x32xf32>
    %slice3A_569 = vector.extract_strided_slice %dot_general3A_58 {offsets = [0, 7], sizes = [512, 1], strides = [1, 1]} : vector<512x32xf32> to vector<512x1xf32>
    %mul3A_570 = vector.broadcast %slice3A_569 : vector<512x1xf32> to vector<512x32xf32>
    %mul3A_571 = arith.mulf %mul3A_570, %dot_general3A_568 : vector<512x32xf32>
    %add3A_572 = arith.addf %add3A_557, %mul3A_571 : vector<512x32xf32>
    %mul3A_573 = arith.constant 2 : i32
    %mul3A_574 = vector.broadcast %mul3A_573 : i32 to vector<32x32xi32>
    %mul3A_575 = arith.muli %mul3A_574, %iota3A_40 : vector<32x32xi32>
    %sub3A_576 = arith.constant 8 : i32
    %sub3A_577 = vector.broadcast %sub3A_576 : i32 to vector<32x32xi32>
    %sub3A_578 = arith.subi %mul3A_575, %sub3A_577 : vector<32x32xi32>
    %eq3A_579 = arith.cmpi eq, %iota3A_39, %sub3A_578 : vector<32x32xi32>
    %convert_element_type3A_580 = arith.extui %eq3A_579 : vector<32x32xi1> to vector<32x32xi32>
    %convert_element_type3A_581 = arith.sitofp %convert_element_type3A_580 : vector<32x32xi32> to vector<32x32xf32>
    %dot_general3A_582 = arith.constant dense<0.000000e+00> : vector<512x32xf32>
    %dot_general3A_583 = tpu.matmul %dot_general3A_60, %convert_element_type3A_581, %dot_general3A_582 {dimension_numbers = #tpu.dot_dimension_numbers<[1], [0], [0], [1], [0, 0, 1, 1], [], []>, precision = #tpu.contract_precision<fp32>, transpose_lhs_hint = false} : vector<512x32xf32>, vector<32x32xf32>, vector<512x32xf32> -> vector<512x32xf32>
    %slice3A_584 = vector.extract_strided_slice %dot_general3A_58 {offsets = [0, 8], sizes = [512, 1], strides = [1, 1]} : vector<512x32xf32> to vector<512x1xf32>
    %mul3A_585 = vector.broadcast %slice3A_584 : vector<512x1xf32> to vector<512x32xf32>
    %mul3A_586 = arith.mulf %mul3A_585, %dot_general3A_583 : vector<512x32xf32>
    %add3A_587 = arith.addf %add3A_572, %mul3A_586 : vector<512x32xf32>
    %mul3A_588 = arith.constant 2 : i32
    %mul3A_589 = vector.broadcast %mul3A_588 : i32 to vector<32x32xi32>
    %mul3A_590 = arith.muli %mul3A_589, %iota3A_40 : vector<32x32xi32>
    %sub3A_591 = arith.constant 9 : i32
    %sub3A_592 = vector.broadcast %sub3A_591 : i32 to vector<32x32xi32>
    %sub3A_593 = arith.subi %mul3A_590, %sub3A_592 : vector<32x32xi32>
    %eq3A_594 = arith.cmpi eq, %iota3A_39, %sub3A_593 : vector<32x32xi32>
    %convert_element_type3A_595 = arith.extui %eq3A_594 : vector<32x32xi1> to vector<32x32xi32>
    %convert_element_type3A_596 = arith.sitofp %convert_element_type3A_595 : vector<32x32xi32> to vector<32x32xf32>
    %dot_general3A_597 = arith.constant dense<0.000000e+00> : vector<512x32xf32>
    %dot_general3A_598 = tpu.matmul %dot_general3A_60, %convert_element_type3A_596, %dot_general3A_597 {dimension_numbers = #tpu.dot_dimension_numbers<[1], [0], [0], [1], [0, 0, 1, 1], [], []>, precision = #tpu.contract_precision<fp32>, transpose_lhs_hint = false} : vector<512x32xf32>, vector<32x32xf32>, vector<512x32xf32> -> vector<512x32xf32>
    %slice3A_599 = vector.extract_strided_slice %dot_general3A_58 {offsets = [0, 9], sizes = [512, 1], strides = [1, 1]} : vector<512x32xf32> to vector<512x1xf32>
    %mul3A_600 = vector.broadcast %slice3A_599 : vector<512x1xf32> to vector<512x32xf32>
    %mul3A_601 = arith.mulf %mul3A_600, %dot_general3A_598 : vector<512x32xf32>
    %add3A_602 = arith.addf %add3A_587, %mul3A_601 : vector<512x32xf32>
    %mul3A_603 = arith.constant 2 : i32
    %mul3A_604 = vector.broadcast %mul3A_603 : i32 to vector<32x32xi32>
    %mul3A_605 = arith.muli %mul3A_604, %iota3A_40 : vector<32x32xi32>
    %sub3A_606 = arith.constant 10 : i32
    %sub3A_607 = vector.broadcast %sub3A_606 : i32 to vector<32x32xi32>
    %sub3A_608 = arith.subi %mul3A_605, %sub3A_607 : vector<32x32xi32>
    %eq3A_609 = arith.cmpi eq, %iota3A_39, %sub3A_608 : vector<32x32xi32>
    %convert_element_type3A_610 = arith.extui %eq3A_609 : vector<32x32xi1> to vector<32x32xi32>
    %convert_element_type3A_611 = arith.sitofp %convert_element_type3A_610 : vector<32x32xi32> to vector<32x32xf32>
    %dot_general3A_612 = arith.constant dense<0.000000e+00> : vector<512x32xf32>
    %dot_general3A_613 = tpu.matmul %dot_general3A_60, %convert_element_type3A_611, %dot_general3A_612 {dimension_numbers = #tpu.dot_dimension_numbers<[1], [0], [0], [1], [0, 0, 1, 1], [], []>, precision = #tpu.contract_precision<fp32>, transpose_lhs_hint = false} : vector<512x32xf32>, vector<32x32xf32>, vector<512x32xf32> -> vector<512x32xf32>
    %slice3A_614 = vector.extract_strided_slice %dot_general3A_58 {offsets = [0, 10], sizes = [512, 1], strides = [1, 1]} : vector<512x32xf32> to vector<512x1xf32>
    %mul3A_615 = vector.broadcast %slice3A_614 : vector<512x1xf32> to vector<512x32xf32>
    %mul3A_616 = arith.mulf %mul3A_615, %dot_general3A_613 : vector<512x32xf32>
    %add3A_617 = arith.addf %add3A_602, %mul3A_616 : vector<512x32xf32>
    %mul3A_618 = arith.constant 2 : i32
    %mul3A_619 = vector.broadcast %mul3A_618 : i32 to vector<32x32xi32>
    %mul3A_620 = arith.muli %mul3A_619, %iota3A_40 : vector<32x32xi32>
    %sub3A_621 = arith.constant 11 : i32
    %sub3A_622 = vector.broadcast %sub3A_621 : i32 to vector<32x32xi32>
    %sub3A_623 = arith.subi %mul3A_620, %sub3A_622 : vector<32x32xi32>
    %eq3A_624 = arith.cmpi eq, %iota3A_39, %sub3A_623 : vector<32x32xi32>
    %convert_element_type3A_625 = arith.extui %eq3A_624 : vector<32x32xi1> to vector<32x32xi32>
    %convert_element_type3A_626 = arith.sitofp %convert_element_type3A_625 : vector<32x32xi32> to vector<32x32xf32>
    %dot_general3A_627 = arith.constant dense<0.000000e+00> : vector<512x32xf32>
    %dot_general3A_628 = tpu.matmul %dot_general3A_60, %convert_element_type3A_626, %dot_general3A_627 {dimension_numbers = #tpu.dot_dimension_numbers<[1], [0], [0], [1], [0, 0, 1, 1], [], []>, precision = #tpu.contract_precision<fp32>, transpose_lhs_hint = false} : vector<512x32xf32>, vector<32x32xf32>, vector<512x32xf32> -> vector<512x32xf32>
    %slice3A_629 = vector.extract_strided_slice %dot_general3A_58 {offsets = [0, 11], sizes = [512, 1], strides = [1, 1]} : vector<512x32xf32> to vector<512x1xf32>
    %mul3A_630 = vector.broadcast %slice3A_629 : vector<512x1xf32> to vector<512x32xf32>
    %mul3A_631 = arith.mulf %mul3A_630, %dot_general3A_628 : vector<512x32xf32>
    %add3A_632 = arith.addf %add3A_617, %mul3A_631 : vector<512x32xf32>
    %mul3A_633 = arith.constant 2 : i32
    %mul3A_634 = vector.broadcast %mul3A_633 : i32 to vector<32x32xi32>
    %mul3A_635 = arith.muli %mul3A_634, %iota3A_40 : vector<32x32xi32>
    %sub3A_636 = arith.constant 12 : i32
    %sub3A_637 = vector.broadcast %sub3A_636 : i32 to vector<32x32xi32>
    %sub3A_638 = arith.subi %mul3A_635, %sub3A_637 : vector<32x32xi32>
    %eq3A_639 = arith.cmpi eq, %iota3A_39, %sub3A_638 : vector<32x32xi32>
    %convert_element_type3A_640 = arith.extui %eq3A_639 : vector<32x32xi1> to vector<32x32xi32>
    %convert_element_type3A_641 = arith.sitofp %convert_element_type3A_640 : vector<32x32xi32> to vector<32x32xf32>
    %dot_general3A_642 = arith.constant dense<0.000000e+00> : vector<512x32xf32>
    %dot_general3A_643 = tpu.matmul %dot_general3A_60, %convert_element_type3A_641, %dot_general3A_642 {dimension_numbers = #tpu.dot_dimension_numbers<[1], [0], [0], [1], [0, 0, 1, 1], [], []>, precision = #tpu.contract_precision<fp32>, transpose_lhs_hint = false} : vector<512x32xf32>, vector<32x32xf32>, vector<512x32xf32> -> vector<512x32xf32>
    %slice3A_644 = vector.extract_strided_slice %dot_general3A_58 {offsets = [0, 12], sizes = [512, 1], strides = [1, 1]} : vector<512x32xf32> to vector<512x1xf32>
    %mul3A_645 = vector.broadcast %slice3A_644 : vector<512x1xf32> to vector<512x32xf32>
    %mul3A_646 = arith.mulf %mul3A_645, %dot_general3A_643 : vector<512x32xf32>
    %add3A_647 = arith.addf %add3A_632, %mul3A_646 : vector<512x32xf32>
    %mul3A_648 = arith.constant 2 : i32
    %mul3A_649 = vector.broadcast %mul3A_648 : i32 to vector<32x32xi32>
    %mul3A_650 = arith.muli %mul3A_649, %iota3A_40 : vector<32x32xi32>
    %sub3A_651 = arith.constant 13 : i32
    %sub3A_652 = vector.broadcast %sub3A_651 : i32 to vector<32x32xi32>
    %sub3A_653 = arith.subi %mul3A_650, %sub3A_652 : vector<32x32xi32>
    %eq3A_654 = arith.cmpi eq, %iota3A_39, %sub3A_653 : vector<32x32xi32>
    %convert_element_type3A_655 = arith.extui %eq3A_654 : vector<32x32xi1> to vector<32x32xi32>
    %convert_element_type3A_656 = arith.sitofp %convert_element_type3A_655 : vector<32x32xi32> to vector<32x32xf32>
    %dot_general3A_657 = arith.constant dense<0.000000e+00> : vector<512x32xf32>
    %dot_general3A_658 = tpu.matmul %dot_general3A_60, %convert_element_type3A_656, %dot_general3A_657 {dimension_numbers = #tpu.dot_dimension_numbers<[1], [0], [0], [1], [0, 0, 1, 1], [], []>, precision = #tpu.contract_precision<fp32>, transpose_lhs_hint = false} : vector<512x32xf32>, vector<32x32xf32>, vector<512x32xf32> -> vector<512x32xf32>
    %slice3A_659 = vector.extract_strided_slice %dot_general3A_58 {offsets = [0, 13], sizes = [512, 1], strides = [1, 1]} : vector<512x32xf32> to vector<512x1xf32>
    %mul3A_660 = vector.broadcast %slice3A_659 : vector<512x1xf32> to vector<512x32xf32>
    %mul3A_661 = arith.mulf %mul3A_660, %dot_general3A_658 : vector<512x32xf32>
    %add3A_662 = arith.addf %add3A_647, %mul3A_661 : vector<512x32xf32>
    %mul3A_663 = arith.constant 2 : i32
    %mul3A_664 = vector.broadcast %mul3A_663 : i32 to vector<32x32xi32>
    %mul3A_665 = arith.muli %mul3A_664, %iota3A_40 : vector<32x32xi32>
    %sub3A_666 = arith.constant 14 : i32
    %sub3A_667 = vector.broadcast %sub3A_666 : i32 to vector<32x32xi32>
    %sub3A_668 = arith.subi %mul3A_665, %sub3A_667 : vector<32x32xi32>
    %eq3A_669 = arith.cmpi eq, %iota3A_39, %sub3A_668 : vector<32x32xi32>
    %convert_element_type3A_670 = arith.extui %eq3A_669 : vector<32x32xi1> to vector<32x32xi32>
    %convert_element_type3A_671 = arith.sitofp %convert_element_type3A_670 : vector<32x32xi32> to vector<32x32xf32>
    %dot_general3A_672 = arith.constant dense<0.000000e+00> : vector<512x32xf32>
    %dot_general3A_673 = tpu.matmul %dot_general3A_60, %convert_element_type3A_671, %dot_general3A_672 {dimension_numbers = #tpu.dot_dimension_numbers<[1], [0], [0], [1], [0, 0, 1, 1], [], []>, precision = #tpu.contract_precision<fp32>, transpose_lhs_hint = false} : vector<512x32xf32>, vector<32x32xf32>, vector<512x32xf32> -> vector<512x32xf32>
    %slice3A_674 = vector.extract_strided_slice %dot_general3A_58 {offsets = [0, 14], sizes = [512, 1], strides = [1, 1]} : vector<512x32xf32> to vector<512x1xf32>
    %mul3A_675 = vector.broadcast %slice3A_674 : vector<512x1xf32> to vector<512x32xf32>
    %mul3A_676 = arith.mulf %mul3A_675, %dot_general3A_673 : vector<512x32xf32>
    %add3A_677 = arith.addf %add3A_662, %mul3A_676 : vector<512x32xf32>
    %mul3A_678 = arith.constant 2 : i32
    %mul3A_679 = vector.broadcast %mul3A_678 : i32 to vector<32x32xi32>
    %mul3A_680 = arith.muli %mul3A_679, %iota3A_40 : vector<32x32xi32>
    %sub3A_681 = arith.constant 15 : i32
    %sub3A_682 = vector.broadcast %sub3A_681 : i32 to vector<32x32xi32>
    %sub3A_683 = arith.subi %mul3A_680, %sub3A_682 : vector<32x32xi32>
    %eq3A_684 = arith.cmpi eq, %iota3A_39, %sub3A_683 : vector<32x32xi32>
    %convert_element_type3A_685 = arith.extui %eq3A_684 : vector<32x32xi1> to vector<32x32xi32>
    %convert_element_type3A_686 = arith.sitofp %convert_element_type3A_685 : vector<32x32xi32> to vector<32x32xf32>
    %dot_general3A_687 = arith.constant dense<0.000000e+00> : vector<512x32xf32>
    %dot_general3A_688 = tpu.matmul %dot_general3A_60, %convert_element_type3A_686, %dot_general3A_687 {dimension_numbers = #tpu.dot_dimension_numbers<[1], [0], [0], [1], [0, 0, 1, 1], [], []>, precision = #tpu.contract_precision<fp32>, transpose_lhs_hint = false} : vector<512x32xf32>, vector<32x32xf32>, vector<512x32xf32> -> vector<512x32xf32>
    %slice3A_689 = vector.extract_strided_slice %dot_general3A_58 {offsets = [0, 15], sizes = [512, 1], strides = [1, 1]} : vector<512x32xf32> to vector<512x1xf32>
    %mul3A_690 = vector.broadcast %slice3A_689 : vector<512x1xf32> to vector<512x32xf32>
    %mul3A_691 = arith.mulf %mul3A_690, %dot_general3A_688 : vector<512x32xf32>
    %add3A_692 = arith.addf %add3A_677, %mul3A_691 : vector<512x32xf32>
    %mul3A_693 = arith.constant 2 : i32
    %mul3A_694 = vector.broadcast %mul3A_693 : i32 to vector<32x32xi32>
    %mul3A_695 = arith.muli %mul3A_694, %iota3A_40 : vector<32x32xi32>
    %sub3A_696 = arith.constant 16 : i32
    %sub3A_697 = vector.broadcast %sub3A_696 : i32 to vector<32x32xi32>
    %sub3A_698 = arith.subi %mul3A_695, %sub3A_697 : vector<32x32xi32>
    %eq3A_699 = arith.cmpi eq, %iota3A_39, %sub3A_698 : vector<32x32xi32>
    %convert_element_type3A_700 = arith.extui %eq3A_699 : vector<32x32xi1> to vector<32x32xi32>
    %convert_element_type3A_701 = arith.sitofp %convert_element_type3A_700 : vector<32x32xi32> to vector<32x32xf32>
    %dot_general3A_702 = arith.constant dense<0.000000e+00> : vector<512x32xf32>
    %dot_general3A_703 = tpu.matmul %dot_general3A_60, %convert_element_type3A_701, %dot_general3A_702 {dimension_numbers = #tpu.dot_dimension_numbers<[1], [0], [0], [1], [0, 0, 1, 1], [], []>, precision = #tpu.contract_precision<fp32>, transpose_lhs_hint = false} : vector<512x32xf32>, vector<32x32xf32>, vector<512x32xf32> -> vector<512x32xf32>
    %slice3A_704 = vector.extract_strided_slice %dot_general3A_58 {offsets = [0, 16], sizes = [512, 1], strides = [1, 1]} : vector<512x32xf32> to vector<512x1xf32>
    %mul3A_705 = vector.broadcast %slice3A_704 : vector<512x1xf32> to vector<512x32xf32>
    %mul3A_706 = arith.mulf %mul3A_705, %dot_general3A_703 : vector<512x32xf32>
    %add3A_707 = arith.addf %add3A_692, %mul3A_706 : vector<512x32xf32>
    %mul3A_708 = arith.constant 2 : i32
    %mul3A_709 = vector.broadcast %mul3A_708 : i32 to vector<32x32xi32>
    %mul3A_710 = arith.muli %mul3A_709, %iota3A_40 : vector<32x32xi32>
    %sub3A_711 = arith.constant 17 : i32
    %sub3A_712 = vector.broadcast %sub3A_711 : i32 to vector<32x32xi32>
    %sub3A_713 = arith.subi %mul3A_710, %sub3A_712 : vector<32x32xi32>
    %eq3A_714 = arith.cmpi eq, %iota3A_39, %sub3A_713 : vector<32x32xi32>
    %convert_element_type3A_715 = arith.extui %eq3A_714 : vector<32x32xi1> to vector<32x32xi32>
    %convert_element_type3A_716 = arith.sitofp %convert_element_type3A_715 : vector<32x32xi32> to vector<32x32xf32>
    %dot_general3A_717 = arith.constant dense<0.000000e+00> : vector<512x32xf32>
    %dot_general3A_718 = tpu.matmul %dot_general3A_60, %convert_element_type3A_716, %dot_general3A_717 {dimension_numbers = #tpu.dot_dimension_numbers<[1], [0], [0], [1], [0, 0, 1, 1], [], []>, precision = #tpu.contract_precision<fp32>, transpose_lhs_hint = false} : vector<512x32xf32>, vector<32x32xf32>, vector<512x32xf32> -> vector<512x32xf32>
    %slice3A_719 = vector.extract_strided_slice %dot_general3A_58 {offsets = [0, 17], sizes = [512, 1], strides = [1, 1]} : vector<512x32xf32> to vector<512x1xf32>
    %mul3A_720 = vector.broadcast %slice3A_719 : vector<512x1xf32> to vector<512x32xf32>
    %mul3A_721 = arith.mulf %mul3A_720, %dot_general3A_718 : vector<512x32xf32>
    %add3A_722 = arith.addf %add3A_707, %mul3A_721 : vector<512x32xf32>
    %mul3A_723 = arith.constant 2 : i32
    %mul3A_724 = vector.broadcast %mul3A_723 : i32 to vector<32x32xi32>
    %mul3A_725 = arith.muli %mul3A_724, %iota3A_40 : vector<32x32xi32>
    %sub3A_726 = arith.constant 18 : i32
    %sub3A_727 = vector.broadcast %sub3A_726 : i32 to vector<32x32xi32>
    %sub3A_728 = arith.subi %mul3A_725, %sub3A_727 : vector<32x32xi32>
    %eq3A_729 = arith.cmpi eq, %iota3A_39, %sub3A_728 : vector<32x32xi32>
    %convert_element_type3A_730 = arith.extui %eq3A_729 : vector<32x32xi1> to vector<32x32xi32>
    %convert_element_type3A_731 = arith.sitofp %convert_element_type3A_730 : vector<32x32xi32> to vector<32x32xf32>
    %dot_general3A_732 = arith.constant dense<0.000000e+00> : vector<512x32xf32>
    %dot_general3A_733 = tpu.matmul %dot_general3A_60, %convert_element_type3A_731, %dot_general3A_732 {dimension_numbers = #tpu.dot_dimension_numbers<[1], [0], [0], [1], [0, 0, 1, 1], [], []>, precision = #tpu.contract_precision<fp32>, transpose_lhs_hint = false} : vector<512x32xf32>, vector<32x32xf32>, vector<512x32xf32> -> vector<512x32xf32>
    %slice3A_734 = vector.extract_strided_slice %dot_general3A_58 {offsets = [0, 18], sizes = [512, 1], strides = [1, 1]} : vector<512x32xf32> to vector<512x1xf32>
    %mul3A_735 = vector.broadcast %slice3A_734 : vector<512x1xf32> to vector<512x32xf32>
    %mul3A_736 = arith.mulf %mul3A_735, %dot_general3A_733 : vector<512x32xf32>
    %add3A_737 = arith.addf %add3A_722, %mul3A_736 : vector<512x32xf32>
    %mul3A_738 = arith.constant 2 : i32
    %mul3A_739 = vector.broadcast %mul3A_738 : i32 to vector<32x32xi32>
    %mul3A_740 = arith.muli %mul3A_739, %iota3A_40 : vector<32x32xi32>
    %sub3A_741 = arith.constant 19 : i32
    %sub3A_742 = vector.broadcast %sub3A_741 : i32 to vector<32x32xi32>
    %sub3A_743 = arith.subi %mul3A_740, %sub3A_742 : vector<32x32xi32>
    %eq3A_744 = arith.cmpi eq, %iota3A_39, %sub3A_743 : vector<32x32xi32>
    %convert_element_type3A_745 = arith.extui %eq3A_744 : vector<32x32xi1> to vector<32x32xi32>
    %convert_element_type3A_746 = arith.sitofp %convert_element_type3A_745 : vector<32x32xi32> to vector<32x32xf32>
    %dot_general3A_747 = arith.constant dense<0.000000e+00> : vector<512x32xf32>
    %dot_general3A_748 = tpu.matmul %dot_general3A_60, %convert_element_type3A_746, %dot_general3A_747 {dimension_numbers = #tpu.dot_dimension_numbers<[1], [0], [0], [1], [0, 0, 1, 1], [], []>, precision = #tpu.contract_precision<fp32>, transpose_lhs_hint = false} : vector<512x32xf32>, vector<32x32xf32>, vector<512x32xf32> -> vector<512x32xf32>
    %slice3A_749 = vector.extract_strided_slice %dot_general3A_58 {offsets = [0, 19], sizes = [512, 1], strides = [1, 1]} : vector<512x32xf32> to vector<512x1xf32>
    %mul3A_750 = vector.broadcast %slice3A_749 : vector<512x1xf32> to vector<512x32xf32>
    %mul3A_751 = arith.mulf %mul3A_750, %dot_general3A_748 : vector<512x32xf32>
    %add3A_752 = arith.addf %add3A_737, %mul3A_751 : vector<512x32xf32>
    %mul3A_753 = arith.constant 2 : i32
    %mul3A_754 = vector.broadcast %mul3A_753 : i32 to vector<32x32xi32>
    %mul3A_755 = arith.muli %mul3A_754, %iota3A_40 : vector<32x32xi32>
    %sub3A_756 = arith.constant 20 : i32
    %sub3A_757 = vector.broadcast %sub3A_756 : i32 to vector<32x32xi32>
    %sub3A_758 = arith.subi %mul3A_755, %sub3A_757 : vector<32x32xi32>
    %eq3A_759 = arith.cmpi eq, %iota3A_39, %sub3A_758 : vector<32x32xi32>
    %convert_element_type3A_760 = arith.extui %eq3A_759 : vector<32x32xi1> to vector<32x32xi32>
    %convert_element_type3A_761 = arith.sitofp %convert_element_type3A_760 : vector<32x32xi32> to vector<32x32xf32>
    %dot_general3A_762 = arith.constant dense<0.000000e+00> : vector<512x32xf32>
    %dot_general3A_763 = tpu.matmul %dot_general3A_60, %convert_element_type3A_761, %dot_general3A_762 {dimension_numbers = #tpu.dot_dimension_numbers<[1], [0], [0], [1], [0, 0, 1, 1], [], []>, precision = #tpu.contract_precision<fp32>, transpose_lhs_hint = false} : vector<512x32xf32>, vector<32x32xf32>, vector<512x32xf32> -> vector<512x32xf32>
    %slice3A_764 = vector.extract_strided_slice %dot_general3A_58 {offsets = [0, 20], sizes = [512, 1], strides = [1, 1]} : vector<512x32xf32> to vector<512x1xf32>
    %mul3A_765 = vector.broadcast %slice3A_764 : vector<512x1xf32> to vector<512x32xf32>
    %mul3A_766 = arith.mulf %mul3A_765, %dot_general3A_763 : vector<512x32xf32>
    %add3A_767 = arith.addf %add3A_752, %mul3A_766 : vector<512x32xf32>
    %mul3A_768 = arith.constant 2 : i32
    %mul3A_769 = vector.broadcast %mul3A_768 : i32 to vector<32x32xi32>
    %mul3A_770 = arith.muli %mul3A_769, %iota3A_40 : vector<32x32xi32>
    %sub3A_771 = arith.constant 21 : i32
    %sub3A_772 = vector.broadcast %sub3A_771 : i32 to vector<32x32xi32>
    %sub3A_773 = arith.subi %mul3A_770, %sub3A_772 : vector<32x32xi32>
    %eq3A_774 = arith.cmpi eq, %iota3A_39, %sub3A_773 : vector<32x32xi32>
    %convert_element_type3A_775 = arith.extui %eq3A_774 : vector<32x32xi1> to vector<32x32xi32>
    %convert_element_type3A_776 = arith.sitofp %convert_element_type3A_775 : vector<32x32xi32> to vector<32x32xf32>
    %dot_general3A_777 = arith.constant dense<0.000000e+00> : vector<512x32xf32>
    %dot_general3A_778 = tpu.matmul %dot_general3A_60, %convert_element_type3A_776, %dot_general3A_777 {dimension_numbers = #tpu.dot_dimension_numbers<[1], [0], [0], [1], [0, 0, 1, 1], [], []>, precision = #tpu.contract_precision<fp32>, transpose_lhs_hint = false} : vector<512x32xf32>, vector<32x32xf32>, vector<512x32xf32> -> vector<512x32xf32>
    %slice3A_779 = vector.extract_strided_slice %dot_general3A_58 {offsets = [0, 21], sizes = [512, 1], strides = [1, 1]} : vector<512x32xf32> to vector<512x1xf32>
    %mul3A_780 = vector.broadcast %slice3A_779 : vector<512x1xf32> to vector<512x32xf32>
    %mul3A_781 = arith.mulf %mul3A_780, %dot_general3A_778 : vector<512x32xf32>
    %add3A_782 = arith.addf %add3A_767, %mul3A_781 : vector<512x32xf32>
    %mul3A_783 = arith.constant 2 : i32
    %mul3A_784 = vector.broadcast %mul3A_783 : i32 to vector<32x32xi32>
    %mul3A_785 = arith.muli %mul3A_784, %iota3A_40 : vector<32x32xi32>
    %sub3A_786 = arith.constant 22 : i32
    %sub3A_787 = vector.broadcast %sub3A_786 : i32 to vector<32x32xi32>
    %sub3A_788 = arith.subi %mul3A_785, %sub3A_787 : vector<32x32xi32>
    %eq3A_789 = arith.cmpi eq, %iota3A_39, %sub3A_788 : vector<32x32xi32>
    %convert_element_type3A_790 = arith.extui %eq3A_789 : vector<32x32xi1> to vector<32x32xi32>
    %convert_element_type3A_791 = arith.sitofp %convert_element_type3A_790 : vector<32x32xi32> to vector<32x32xf32>
    %dot_general3A_792 = arith.constant dense<0.000000e+00> : vector<512x32xf32>
    %dot_general3A_793 = tpu.matmul %dot_general3A_60, %convert_element_type3A_791, %dot_general3A_792 {dimension_numbers = #tpu.dot_dimension_numbers<[1], [0], [0], [1], [0, 0, 1, 1], [], []>, precision = #tpu.contract_precision<fp32>, transpose_lhs_hint = false} : vector<512x32xf32>, vector<32x32xf32>, vector<512x32xf32> -> vector<512x32xf32>
    %slice3A_794 = vector.extract_strided_slice %dot_general3A_58 {offsets = [0, 22], sizes = [512, 1], strides = [1, 1]} : vector<512x32xf32> to vector<512x1xf32>
    %mul3A_795 = vector.broadcast %slice3A_794 : vector<512x1xf32> to vector<512x32xf32>
    %mul3A_796 = arith.mulf %mul3A_795, %dot_general3A_793 : vector<512x32xf32>
    %add3A_797 = arith.addf %add3A_782, %mul3A_796 : vector<512x32xf32>
    %mul3A_798 = arith.constant 2 : i32
    %mul3A_799 = vector.broadcast %mul3A_798 : i32 to vector<32x32xi32>
    %mul3A_800 = arith.muli %mul3A_799, %iota3A_40 : vector<32x32xi32>
    %sub3A_801 = arith.constant 23 : i32
    %sub3A_802 = vector.broadcast %sub3A_801 : i32 to vector<32x32xi32>
    %sub3A_803 = arith.subi %mul3A_800, %sub3A_802 : vector<32x32xi32>
    %eq3A_804 = arith.cmpi eq, %iota3A_39, %sub3A_803 : vector<32x32xi32>
    %convert_element_type3A_805 = arith.extui %eq3A_804 : vector<32x32xi1> to vector<32x32xi32>
    %convert_element_type3A_806 = arith.sitofp %convert_element_type3A_805 : vector<32x32xi32> to vector<32x32xf32>
    %dot_general3A_807 = arith.constant dense<0.000000e+00> : vector<512x32xf32>
    %dot_general3A_808 = tpu.matmul %dot_general3A_60, %convert_element_type3A_806, %dot_general3A_807 {dimension_numbers = #tpu.dot_dimension_numbers<[1], [0], [0], [1], [0, 0, 1, 1], [], []>, precision = #tpu.contract_precision<fp32>, transpose_lhs_hint = false} : vector<512x32xf32>, vector<32x32xf32>, vector<512x32xf32> -> vector<512x32xf32>
    %slice3A_809 = vector.extract_strided_slice %dot_general3A_58 {offsets = [0, 23], sizes = [512, 1], strides = [1, 1]} : vector<512x32xf32> to vector<512x1xf32>
    %mul3A_810 = vector.broadcast %slice3A_809 : vector<512x1xf32> to vector<512x32xf32>
    %mul3A_811 = arith.mulf %mul3A_810, %dot_general3A_808 : vector<512x32xf32>
    %add3A_812 = arith.addf %add3A_797, %mul3A_811 : vector<512x32xf32>
    %mul3A_813 = arith.constant 2 : i32
    %mul3A_814 = vector.broadcast %mul3A_813 : i32 to vector<32x32xi32>
    %mul3A_815 = arith.muli %mul3A_814, %iota3A_40 : vector<32x32xi32>
    %sub3A_816 = arith.constant 24 : i32
    %sub3A_817 = vector.broadcast %sub3A_816 : i32 to vector<32x32xi32>
    %sub3A_818 = arith.subi %mul3A_815, %sub3A_817 : vector<32x32xi32>
    %eq3A_819 = arith.cmpi eq, %iota3A_39, %sub3A_818 : vector<32x32xi32>
    %convert_element_type3A_820 = arith.extui %eq3A_819 : vector<32x32xi1> to vector<32x32xi32>
    %convert_element_type3A_821 = arith.sitofp %convert_element_type3A_820 : vector<32x32xi32> to vector<32x32xf32>
    %dot_general3A_822 = arith.constant dense<0.000000e+00> : vector<512x32xf32>
    %dot_general3A_823 = tpu.matmul %dot_general3A_60, %convert_element_type3A_821, %dot_general3A_822 {dimension_numbers = #tpu.dot_dimension_numbers<[1], [0], [0], [1], [0, 0, 1, 1], [], []>, precision = #tpu.contract_precision<fp32>, transpose_lhs_hint = false} : vector<512x32xf32>, vector<32x32xf32>, vector<512x32xf32> -> vector<512x32xf32>
    %slice3A_824 = vector.extract_strided_slice %dot_general3A_58 {offsets = [0, 24], sizes = [512, 1], strides = [1, 1]} : vector<512x32xf32> to vector<512x1xf32>
    %mul3A_825 = vector.broadcast %slice3A_824 : vector<512x1xf32> to vector<512x32xf32>
    %mul3A_826 = arith.mulf %mul3A_825, %dot_general3A_823 : vector<512x32xf32>
    %add3A_827 = arith.addf %add3A_812, %mul3A_826 : vector<512x32xf32>
    %mul3A_828 = arith.constant 2 : i32
    %mul3A_829 = vector.broadcast %mul3A_828 : i32 to vector<32x32xi32>
    %mul3A_830 = arith.muli %mul3A_829, %iota3A_40 : vector<32x32xi32>
    %sub3A_831 = arith.constant 25 : i32
    %sub3A_832 = vector.broadcast %sub3A_831 : i32 to vector<32x32xi32>
    %sub3A_833 = arith.subi %mul3A_830, %sub3A_832 : vector<32x32xi32>
    %eq3A_834 = arith.cmpi eq, %iota3A_39, %sub3A_833 : vector<32x32xi32>
    %convert_element_type3A_835 = arith.extui %eq3A_834 : vector<32x32xi1> to vector<32x32xi32>
    %convert_element_type3A_836 = arith.sitofp %convert_element_type3A_835 : vector<32x32xi32> to vector<32x32xf32>
    %dot_general3A_837 = arith.constant dense<0.000000e+00> : vector<512x32xf32>
    %dot_general3A_838 = tpu.matmul %dot_general3A_60, %convert_element_type3A_836, %dot_general3A_837 {dimension_numbers = #tpu.dot_dimension_numbers<[1], [0], [0], [1], [0, 0, 1, 1], [], []>, precision = #tpu.contract_precision<fp32>, transpose_lhs_hint = false} : vector<512x32xf32>, vector<32x32xf32>, vector<512x32xf32> -> vector<512x32xf32>
    %slice3A_839 = vector.extract_strided_slice %dot_general3A_58 {offsets = [0, 25], sizes = [512, 1], strides = [1, 1]} : vector<512x32xf32> to vector<512x1xf32>
    %mul3A_840 = vector.broadcast %slice3A_839 : vector<512x1xf32> to vector<512x32xf32>
    %mul3A_841 = arith.mulf %mul3A_840, %dot_general3A_838 : vector<512x32xf32>
    %add3A_842 = arith.addf %add3A_827, %mul3A_841 : vector<512x32xf32>
    %mul3A_843 = arith.constant 2 : i32
    %mul3A_844 = vector.broadcast %mul3A_843 : i32 to vector<32x32xi32>
    %mul3A_845 = arith.muli %mul3A_844, %iota3A_40 : vector<32x32xi32>
    %sub3A_846 = arith.constant 26 : i32
    %sub3A_847 = vector.broadcast %sub3A_846 : i32 to vector<32x32xi32>
    %sub3A_848 = arith.subi %mul3A_845, %sub3A_847 : vector<32x32xi32>
    %eq3A_849 = arith.cmpi eq, %iota3A_39, %sub3A_848 : vector<32x32xi32>
    %convert_element_type3A_850 = arith.extui %eq3A_849 : vector<32x32xi1> to vector<32x32xi32>
    %convert_element_type3A_851 = arith.sitofp %convert_element_type3A_850 : vector<32x32xi32> to vector<32x32xf32>
    %dot_general3A_852 = arith.constant dense<0.000000e+00> : vector<512x32xf32>
    %dot_general3A_853 = tpu.matmul %dot_general3A_60, %convert_element_type3A_851, %dot_general3A_852 {dimension_numbers = #tpu.dot_dimension_numbers<[1], [0], [0], [1], [0, 0, 1, 1], [], []>, precision = #tpu.contract_precision<fp32>, transpose_lhs_hint = false} : vector<512x32xf32>, vector<32x32xf32>, vector<512x32xf32> -> vector<512x32xf32>
    %slice3A_854 = vector.extract_strided_slice %dot_general3A_58 {offsets = [0, 26], sizes = [512, 1], strides = [1, 1]} : vector<512x32xf32> to vector<512x1xf32>
    %mul3A_855 = vector.broadcast %slice3A_854 : vector<512x1xf32> to vector<512x32xf32>
    %mul3A_856 = arith.mulf %mul3A_855, %dot_general3A_853 : vector<512x32xf32>
    %add3A_857 = arith.addf %add3A_842, %mul3A_856 : vector<512x32xf32>
    %mul3A_858 = arith.constant 2 : i32
    %mul3A_859 = vector.broadcast %mul3A_858 : i32 to vector<32x32xi32>
    %mul3A_860 = arith.muli %mul3A_859, %iota3A_40 : vector<32x32xi32>
    %sub3A_861 = arith.constant 27 : i32
    %sub3A_862 = vector.broadcast %sub3A_861 : i32 to vector<32x32xi32>
    %sub3A_863 = arith.subi %mul3A_860, %sub3A_862 : vector<32x32xi32>
    %eq3A_864 = arith.cmpi eq, %iota3A_39, %sub3A_863 : vector<32x32xi32>
    %convert_element_type3A_865 = arith.extui %eq3A_864 : vector<32x32xi1> to vector<32x32xi32>
    %convert_element_type3A_866 = arith.sitofp %convert_element_type3A_865 : vector<32x32xi32> to vector<32x32xf32>
    %dot_general3A_867 = arith.constant dense<0.000000e+00> : vector<512x32xf32>
    %dot_general3A_868 = tpu.matmul %dot_general3A_60, %convert_element_type3A_866, %dot_general3A_867 {dimension_numbers = #tpu.dot_dimension_numbers<[1], [0], [0], [1], [0, 0, 1, 1], [], []>, precision = #tpu.contract_precision<fp32>, transpose_lhs_hint = false} : vector<512x32xf32>, vector<32x32xf32>, vector<512x32xf32> -> vector<512x32xf32>
    %slice3A_869 = vector.extract_strided_slice %dot_general3A_58 {offsets = [0, 27], sizes = [512, 1], strides = [1, 1]} : vector<512x32xf32> to vector<512x1xf32>
    %mul3A_870 = vector.broadcast %slice3A_869 : vector<512x1xf32> to vector<512x32xf32>
    %mul3A_871 = arith.mulf %mul3A_870, %dot_general3A_868 : vector<512x32xf32>
    %add3A_872 = arith.addf %add3A_857, %mul3A_871 : vector<512x32xf32>
    %mul3A_873 = arith.constant 2 : i32
    %mul3A_874 = vector.broadcast %mul3A_873 : i32 to vector<32x32xi32>
    %mul3A_875 = arith.muli %mul3A_874, %iota3A_40 : vector<32x32xi32>
    %sub3A_876 = arith.constant 28 : i32
    %sub3A_877 = vector.broadcast %sub3A_876 : i32 to vector<32x32xi32>
    %sub3A_878 = arith.subi %mul3A_875, %sub3A_877 : vector<32x32xi32>
    %eq3A_879 = arith.cmpi eq, %iota3A_39, %sub3A_878 : vector<32x32xi32>
    %convert_element_type3A_880 = arith.extui %eq3A_879 : vector<32x32xi1> to vector<32x32xi32>
    %convert_element_type3A_881 = arith.sitofp %convert_element_type3A_880 : vector<32x32xi32> to vector<32x32xf32>
    %dot_general3A_882 = arith.constant dense<0.000000e+00> : vector<512x32xf32>
    %dot_general3A_883 = tpu.matmul %dot_general3A_60, %convert_element_type3A_881, %dot_general3A_882 {dimension_numbers = #tpu.dot_dimension_numbers<[1], [0], [0], [1], [0, 0, 1, 1], [], []>, precision = #tpu.contract_precision<fp32>, transpose_lhs_hint = false} : vector<512x32xf32>, vector<32x32xf32>, vector<512x32xf32> -> vector<512x32xf32>
    %slice3A_884 = vector.extract_strided_slice %dot_general3A_58 {offsets = [0, 28], sizes = [512, 1], strides = [1, 1]} : vector<512x32xf32> to vector<512x1xf32>
    %mul3A_885 = vector.broadcast %slice3A_884 : vector<512x1xf32> to vector<512x32xf32>
    %mul3A_886 = arith.mulf %mul3A_885, %dot_general3A_883 : vector<512x32xf32>
    %add3A_887 = arith.addf %add3A_872, %mul3A_886 : vector<512x32xf32>
    %mul3A_888 = arith.constant 2 : i32
    %mul3A_889 = vector.broadcast %mul3A_888 : i32 to vector<32x32xi32>
    %mul3A_890 = arith.muli %mul3A_889, %iota3A_40 : vector<32x32xi32>
    %sub3A_891 = arith.constant 29 : i32
    %sub3A_892 = vector.broadcast %sub3A_891 : i32 to vector<32x32xi32>
    %sub3A_893 = arith.subi %mul3A_890, %sub3A_892 : vector<32x32xi32>
    %eq3A_894 = arith.cmpi eq, %iota3A_39, %sub3A_893 : vector<32x32xi32>
    %convert_element_type3A_895 = arith.extui %eq3A_894 : vector<32x32xi1> to vector<32x32xi32>
    %convert_element_type3A_896 = arith.sitofp %convert_element_type3A_895 : vector<32x32xi32> to vector<32x32xf32>
    %dot_general3A_897 = arith.constant dense<0.000000e+00> : vector<512x32xf32>
    %dot_general3A_898 = tpu.matmul %dot_general3A_60, %convert_element_type3A_896, %dot_general3A_897 {dimension_numbers = #tpu.dot_dimension_numbers<[1], [0], [0], [1], [0, 0, 1, 1], [], []>, precision = #tpu.contract_precision<fp32>, transpose_lhs_hint = false} : vector<512x32xf32>, vector<32x32xf32>, vector<512x32xf32> -> vector<512x32xf32>
    %slice3A_899 = vector.extract_strided_slice %dot_general3A_58 {offsets = [0, 29], sizes = [512, 1], strides = [1, 1]} : vector<512x32xf32> to vector<512x1xf32>
    %mul3A_900 = vector.broadcast %slice3A_899 : vector<512x1xf32> to vector<512x32xf32>
    %mul3A_901 = arith.mulf %mul3A_900, %dot_general3A_898 : vector<512x32xf32>
    %add3A_902 = arith.addf %add3A_887, %mul3A_901 : vector<512x32xf32>
    %mul3A_903 = arith.constant 2 : i32
    %mul3A_904 = vector.broadcast %mul3A_903 : i32 to vector<32x32xi32>
    %mul3A_905 = arith.muli %mul3A_904, %iota3A_40 : vector<32x32xi32>
    %sub3A_906 = arith.constant 30 : i32
    %sub3A_907 = vector.broadcast %sub3A_906 : i32 to vector<32x32xi32>
    %sub3A_908 = arith.subi %mul3A_905, %sub3A_907 : vector<32x32xi32>
    %eq3A_909 = arith.cmpi eq, %iota3A_39, %sub3A_908 : vector<32x32xi32>
    %convert_element_type3A_910 = arith.extui %eq3A_909 : vector<32x32xi1> to vector<32x32xi32>
    %convert_element_type3A_911 = arith.sitofp %convert_element_type3A_910 : vector<32x32xi32> to vector<32x32xf32>
    %dot_general3A_912 = arith.constant dense<0.000000e+00> : vector<512x32xf32>
    %dot_general3A_913 = tpu.matmul %dot_general3A_60, %convert_element_type3A_911, %dot_general3A_912 {dimension_numbers = #tpu.dot_dimension_numbers<[1], [0], [0], [1], [0, 0, 1, 1], [], []>, precision = #tpu.contract_precision<fp32>, transpose_lhs_hint = false} : vector<512x32xf32>, vector<32x32xf32>, vector<512x32xf32> -> vector<512x32xf32>
    %slice3A_914 = vector.extract_strided_slice %dot_general3A_58 {offsets = [0, 30], sizes = [512, 1], strides = [1, 1]} : vector<512x32xf32> to vector<512x1xf32>
    %mul3A_915 = vector.broadcast %slice3A_914 : vector<512x1xf32> to vector<512x32xf32>
    %mul3A_916 = arith.mulf %mul3A_915, %dot_general3A_913 : vector<512x32xf32>
    %add3A_917 = arith.addf %add3A_902, %mul3A_916 : vector<512x32xf32>
    %mul3A_918 = arith.constant 2 : i32
    %mul3A_919 = vector.broadcast %mul3A_918 : i32 to vector<32x32xi32>
    %mul3A_920 = arith.muli %mul3A_919, %iota3A_40 : vector<32x32xi32>
    %sub3A_921 = arith.constant 31 : i32
    %sub3A_922 = vector.broadcast %sub3A_921 : i32 to vector<32x32xi32>
    %sub3A_923 = arith.subi %mul3A_920, %sub3A_922 : vector<32x32xi32>
    %eq3A_924 = arith.cmpi eq, %iota3A_39, %sub3A_923 : vector<32x32xi32>
    %convert_element_type3A_925 = arith.extui %eq3A_924 : vector<32x32xi1> to vector<32x32xi32>
    %convert_element_type3A_926 = arith.sitofp %convert_element_type3A_925 : vector<32x32xi32> to vector<32x32xf32>
    %dot_general3A_927 = arith.constant dense<0.000000e+00> : vector<512x32xf32>
    %dot_general3A_928 = tpu.matmul %dot_general3A_60, %convert_element_type3A_926, %dot_general3A_927 {dimension_numbers = #tpu.dot_dimension_numbers<[1], [0], [0], [1], [0, 0, 1, 1], [], []>, precision = #tpu.contract_precision<fp32>, transpose_lhs_hint = false} : vector<512x32xf32>, vector<32x32xf32>, vector<512x32xf32> -> vector<512x32xf32>
    %slice3A_929 = vector.extract_strided_slice %dot_general3A_58 {offsets = [0, 31], sizes = [512, 1], strides = [1, 1]} : vector<512x32xf32> to vector<512x1xf32>
    %mul3A_930 = vector.broadcast %slice3A_929 : vector<512x1xf32> to vector<512x32xf32>
    %mul3A_931 = arith.mulf %mul3A_930, %dot_general3A_928 : vector<512x32xf32>
    %add3A_932 = arith.addf %add3A_917, %mul3A_931 : vector<512x32xf32>
    %dot_general3A_933 = arith.constant dense<0.000000e+00> : vector<512x32xf32>
    %dot_general3A_934 = tpu.matmul %convert_element_type3A_26, %add3A_450, %dot_general3A_933 {dimension_numbers = #tpu.dot_dimension_numbers<[1], [0], [0], [1], [0, 0, 1, 1], [], []>, precision = #tpu.contract_precision<fp32>, transpose_lhs_hint = false} : vector<512x32xf32>, vector<32x32xf32>, vector<512x32xf32> -> vector<512x32xf32>
    %concatenate3A = tpu.concatenate %dot_general3A_934, %convert_element_type3A_26 in 1 : vector<512x32xf32>, vector<512x32xf32> -> vector<512x64xf32>
    %concatenate3A_935 = tpu.concatenate %dot_general3A_58, %add3A_932 in 1 : vector<512x32xf32>, vector<512x32xf32> -> vector<512x64xf32>
    %dot_general3A_936 = arith.constant dense<0.000000e+00> : vector<512x512xf32>
    %dot_general3A_937 = tpu.matmul %concatenate3A, %concatenate3A_935, %dot_general3A_936 {dimension_numbers = #tpu.dot_dimension_numbers<[1], [1], [0], [0], [0, 0, 1, 0], [], []>, precision = #tpu.contract_precision<fp32>, transpose_lhs_hint = false} : vector<512x64xf32>, vector<512x64xf32>, vector<512x512xf32> -> vector<512x512xf32>
    %add3A_938 = vector.broadcast %sub3A : vector<1x512xf32> to vector<512x512xf32>
    %add3A_939 = arith.addf %dot_general3A_937, %add3A_938 : vector<512x512xf32>
    %convert_element_type3A_940 = arith.fptosi %add3A_939 : vector<512x512xf32> to vector<512x512xi32>
    %dot_general3A_941 = arith.constant dense<0.000000e+00> : vector<512x1xf32>
    %dot_general3A_942 = tpu.matmul %convert_element_type3A_26, %dot_general3A_30, %dot_general3A_941 {dimension_numbers = #tpu.dot_dimension_numbers<[1], [0], [0], [1], [0, 0, 1, 1], [], []>, precision = #tpu.contract_precision<fp32>, transpose_lhs_hint = false} : vector<512x32xf32>, vector<32x1xf32>, vector<512x1xf32> -> vector<512x1xf32>
    %convert_element_type3A_943 = arith.fptosi %broadcast_in_dim3A_38 : vector<512x1xf32> to vector<512x1xi32>
    %sub3A_944 = arith.constant 5.120000e+02 : f32
    %sub3A_945 = vector.broadcast %sub3A_944 : f32 to vector<512x1xf32>
    %sub3A_946 = arith.subf %sub3A_945, %dot_general3A_942 : vector<512x1xf32>
    %convert_element_type3A_947 = arith.fptosi %sub3A_946 : vector<512x1xf32> to vector<512x1xi32>
    %convert_element_type3A_948 = arith.fptosi %dot_general3A_942 : vector<512x1xf32> to vector<512x1xi32>
    %sub3A_949 = arith.subi %convert_element_type3A_948, %convert_element_type3A_943 : vector<512x1xi32>
    %sub3A_950 = arith.constant 1 : i32
    %sub3A_951 = vector.broadcast %sub3A_950 : i32 to vector<512x1xi32>
    %sub3A_952 = arith.subi %sub3A_949, %sub3A_951 : vector<512x1xi32>
    %mul3A_953 = arith.constant 9 : i32
    %mul3A_954 = vector.broadcast %mul3A_953 : i32 to vector<512x1xi32>
    %mul3A_955 = arith.muli %mul3A_954, %convert_element_type3A_947 : vector<512x1xi32>
    %mul3A_956 = arith.constant 6554 : i32
    %mul3A_957 = vector.broadcast %mul3A_956 : i32 to vector<512x1xi32>
    %mul3A_958 = arith.muli %mul3A_955, %mul3A_957 : vector<512x1xi32>
    %shift_right_logical3A = arith.constant 16 : i32
    %shift_right_logical3A_959 = vector.broadcast %shift_right_logical3A : i32 to vector<512x1xi32>
    %shift_right_logical3A_960 = arith.shrui %mul3A_958, %shift_right_logical3A_959 : vector<512x1xi32>
    %gt3A_961 = arith.constant 0 : i32
    %gt3A_962 = vector.broadcast %gt3A_961 : i32 to vector<512x1xi32>
    %gt3A_963 = arith.cmpi sgt, %sub3A_952, %gt3A_962 : vector<512x1xi32>
    %gt3A_964 = arith.constant 0 : i32
    %gt3A_965 = vector.broadcast %gt3A_964 : i32 to vector<512x1xi32>
    %gt3A_966 = arith.cmpi sgt, %convert_element_type3A_947, %gt3A_965 : vector<512x1xi32>
    %and3A = arith.andi %gt3A_963, %gt3A_966 : vector<512x1xi1>
    %lt3A_967 = arith.cmpi slt, %sub3A_952, %convert_element_type3A_947 : vector<512x1xi32>
    %gt3A_968 = arith.cmpi sgt, %shift_right_logical3A_960, %sub3A_952 : vector<512x1xi32>
    %and3A_969 = arith.andi %lt3A_967, %gt3A_968 : vector<512x1xi1>
    %max3A_970 = arith.constant 1 : i32
    %max3A_971 = vector.broadcast %max3A_970 : i32 to vector<512x1xi32>
    %max3A_972 = arith.maxsi %sub3A_952, %max3A_971 : vector<512x1xi32>
    %convert_element_type3A_973 = arith.sitofp %max3A_972 : vector<512x1xi32> to vector<512x1xf32>
    %div3A_974 = arith.constant 1.000000e+00 : f32
    %div3A_975 = vector.broadcast %div3A_974 : f32 to vector<512x1xf32>
    %div3A_976 = arith.divf %div3A_975, %convert_element_type3A_973 : vector<512x1xf32>
    %broadcast_in_dim3A_977 = arith.constant 65536 : i32
    %broadcast_in_dim3A_978 = vector.broadcast %broadcast_in_dim3A_977 : i32 to vector<512x1xi32>
    %convert_element_type3A_979 = arith.sitofp %broadcast_in_dim3A_978 : vector<512x1xi32> to vector<512x1xf32>
    %mul3A_980 = arith.mulf %convert_element_type3A_979, %div3A_976 : vector<512x1xf32>
    %floor3A = math.floor %mul3A_980 : vector<512x1xf32>
    %convert_element_type3A_981 = arith.fptosi %floor3A : vector<512x1xf32> to vector<512x1xi32>
    %mul3A_982 = arith.muli %convert_element_type3A_981, %max3A_972 : vector<512x1xi32>
    %sub3A_983 = arith.subi %broadcast_in_dim3A_978, %mul3A_982 : vector<512x1xi32>
    %lt3A_984 = arith.constant 0 : i32
    %lt3A_985 = vector.broadcast %lt3A_984 : i32 to vector<512x1xi32>
    %lt3A_986 = arith.cmpi slt, %sub3A_983, %lt3A_985 : vector<512x1xi32>
    %add3A_987 = arith.addi %sub3A_983, %max3A_972 : vector<512x1xi32>
    %select_n3A = arith.select %lt3A_986, %add3A_987, %sub3A_983 : vector<512x1xi1>, vector<512x1xi32>
    %ge3A = arith.cmpi sge, %select_n3A, %max3A_972 : vector<512x1xi32>
    %sub3A_988 = arith.subi %select_n3A, %max3A_972 : vector<512x1xi32>
    %select_n3A_989 = arith.select %ge3A, %sub3A_988, %select_n3A : vector<512x1xi1>, vector<512x1xi32>
    %mul3A_990 = arith.muli %select_n3A_989, %select_n3A_989 : vector<512x1xi32>
    %convert_element_type3A_991 = arith.sitofp %mul3A_990 : vector<512x1xi32> to vector<512x1xf32>
    %mul3A_992 = arith.mulf %convert_element_type3A_991, %div3A_976 : vector<512x1xf32>
    %floor3A_993 = math.floor %mul3A_992 : vector<512x1xf32>
    %convert_element_type3A_994 = arith.fptosi %floor3A_993 : vector<512x1xf32> to vector<512x1xi32>
    %mul3A_995 = arith.muli %convert_element_type3A_994, %max3A_972 : vector<512x1xi32>
    %sub3A_996 = arith.subi %mul3A_990, %mul3A_995 : vector<512x1xi32>
    %lt3A_997 = arith.constant 0 : i32
    %lt3A_998 = vector.broadcast %lt3A_997 : i32 to vector<512x1xi32>
    %lt3A_999 = arith.cmpi slt, %sub3A_996, %lt3A_998 : vector<512x1xi32>
    %add3A_1000 = arith.addi %sub3A_996, %max3A_972 : vector<512x1xi32>
    %select_n3A_1001 = arith.select %lt3A_999, %add3A_1000, %sub3A_996 : vector<512x1xi1>, vector<512x1xi32>
    %ge3A_1002 = arith.cmpi sge, %select_n3A_1001, %max3A_972 : vector<512x1xi32>
    %sub3A_1003 = arith.subi %select_n3A_1001, %max3A_972 : vector<512x1xi32>
    %select_n3A_1004 = arith.select %ge3A_1002, %sub3A_1003, %select_n3A_1001 : vector<512x1xi1>, vector<512x1xi32>
    %shift_right_logical3A_1005 = arith.constant 16 : i32
    %shift_right_logical3A_1006 = vector.broadcast %shift_right_logical3A_1005 : i32 to vector<512x512xi32>
    %shift_right_logical3A_1007 = arith.shrui %get3A_6, %shift_right_logical3A_1006 : vector<512x512xi32>
    %and3A_1008 = arith.constant 65535 : i32
    %and3A_1009 = vector.broadcast %and3A_1008 : i32 to vector<512x512xi32>
    %and3A_1010 = arith.andi %get3A_6, %and3A_1009 : vector<512x512xi32>
    %mul3A_1011 = vector.broadcast %select_n3A_989 : vector<512x1xi32> to vector<512x512xi32>
    %mul3A_1012 = arith.muli %shift_right_logical3A_1007, %mul3A_1011 : vector<512x512xi32>
    %shift_right_logical3A_1013 = arith.constant 16 : i32
    %shift_right_logical3A_1014 = vector.broadcast %shift_right_logical3A_1013 : i32 to vector<512x512xi32>
    %shift_right_logical3A_1015 = arith.shrui %mul3A_1012, %shift_right_logical3A_1014 : vector<512x512xi32>
    %and3A_1016 = arith.constant 65535 : i32
    %and3A_1017 = vector.broadcast %and3A_1016 : i32 to vector<512x512xi32>
    %and3A_1018 = arith.andi %mul3A_1012, %and3A_1017 : vector<512x512xi32>
    %mul3A_1019 = vector.broadcast %select_n3A_989 : vector<512x1xi32> to vector<512x512xi32>
    %mul3A_1020 = arith.muli %shift_right_logical3A_1015, %mul3A_1019 : vector<512x512xi32>
    %add3A_1021 = arith.addi %mul3A_1020, %and3A_1018 : vector<512x512xi32>
    %add3A_1022 = arith.addi %add3A_1021, %and3A_1010 : vector<512x512xi32>
    %convert_element_type3A_1023 = arith.sitofp %add3A_1022 : vector<512x512xi32> to vector<512x512xf32>
    %mul3A_1024 = vector.broadcast %div3A_976 : vector<512x1xf32> to vector<512x512xf32>
    %mul3A_1025 = arith.mulf %convert_element_type3A_1023, %mul3A_1024 : vector<512x512xf32>
    %floor3A_1026 = math.floor %mul3A_1025 : vector<512x512xf32>
    %convert_element_type3A_1027 = arith.fptosi %floor3A_1026 : vector<512x512xf32> to vector<512x512xi32>
    %mul3A_1028 = vector.broadcast %max3A_972 : vector<512x1xi32> to vector<512x512xi32>
    %mul3A_1029 = arith.muli %convert_element_type3A_1027, %mul3A_1028 : vector<512x512xi32>
    %sub3A_1030 = arith.subi %add3A_1022, %mul3A_1029 : vector<512x512xi32>
    %lt3A_1031 = arith.constant 0 : i32
    %lt3A_1032 = vector.broadcast %lt3A_1031 : i32 to vector<512x512xi32>
    %lt3A_1033 = arith.cmpi slt, %sub3A_1030, %lt3A_1032 : vector<512x512xi32>
    %add3A_1034 = vector.broadcast %max3A_972 : vector<512x1xi32> to vector<512x512xi32>
    %add3A_1035 = arith.addi %sub3A_1030, %add3A_1034 : vector<512x512xi32>
    %select_n3A_1036 = arith.select %lt3A_1033, %add3A_1035, %sub3A_1030 : vector<512x512xi1>, vector<512x512xi32>
    %ge3A_1037 = vector.broadcast %max3A_972 : vector<512x1xi32> to vector<512x512xi32>
    %ge3A_1038 = arith.cmpi sge, %select_n3A_1036, %ge3A_1037 : vector<512x512xi32>
    %sub3A_1039 = vector.broadcast %max3A_972 : vector<512x1xi32> to vector<512x512xi32>
    %sub3A_1040 = arith.subi %select_n3A_1036, %sub3A_1039 : vector<512x512xi32>
    %select_n3A_1041 = arith.select %ge3A_1038, %sub3A_1040, %select_n3A_1036 : vector<512x512xi1>, vector<512x512xi32>
    %mul3A_1042 = vector.broadcast %select_n3A_1004 : vector<512x1xi32> to vector<512x512xi32>
    %mul3A_1043 = arith.muli %select_n3A_1041, %mul3A_1042 : vector<512x512xi32>
    %shift_right_logical3A_1044 = arith.constant 16 : i32
    %shift_right_logical3A_1045 = vector.broadcast %shift_right_logical3A_1044 : i32 to vector<512x512xi32>
    %shift_right_logical3A_1046 = arith.shrui %get3A_9, %shift_right_logical3A_1045 : vector<512x512xi32>
    %and3A_1047 = arith.constant 65535 : i32
    %and3A_1048 = vector.broadcast %and3A_1047 : i32 to vector<512x512xi32>
    %and3A_1049 = arith.andi %get3A_9, %and3A_1048 : vector<512x512xi32>
    %mul3A_1050 = vector.broadcast %select_n3A_989 : vector<512x1xi32> to vector<512x512xi32>
    %mul3A_1051 = arith.muli %shift_right_logical3A_1046, %mul3A_1050 : vector<512x512xi32>
    %shift_right_logical3A_1052 = arith.constant 16 : i32
    %shift_right_logical3A_1053 = vector.broadcast %shift_right_logical3A_1052 : i32 to vector<512x512xi32>
    %shift_right_logical3A_1054 = arith.shrui %mul3A_1051, %shift_right_logical3A_1053 : vector<512x512xi32>
    %and3A_1055 = arith.constant 65535 : i32
    %and3A_1056 = vector.broadcast %and3A_1055 : i32 to vector<512x512xi32>
    %and3A_1057 = arith.andi %mul3A_1051, %and3A_1056 : vector<512x512xi32>
    %mul3A_1058 = vector.broadcast %select_n3A_989 : vector<512x1xi32> to vector<512x512xi32>
    %mul3A_1059 = arith.muli %shift_right_logical3A_1054, %mul3A_1058 : vector<512x512xi32>
    %add3A_1060 = arith.addi %mul3A_1059, %and3A_1057 : vector<512x512xi32>
    %add3A_1061 = arith.addi %add3A_1060, %and3A_1049 : vector<512x512xi32>
    %add3A_1062 = arith.addi %mul3A_1043, %add3A_1061 : vector<512x512xi32>
    %convert_element_type3A_1063 = arith.sitofp %add3A_1062 : vector<512x512xi32> to vector<512x512xf32>
    %mul3A_1064 = vector.broadcast %div3A_976 : vector<512x1xf32> to vector<512x512xf32>
    %mul3A_1065 = arith.mulf %convert_element_type3A_1063, %mul3A_1064 : vector<512x512xf32>
    %floor3A_1066 = math.floor %mul3A_1065 : vector<512x512xf32>
    %convert_element_type3A_1067 = arith.fptosi %floor3A_1066 : vector<512x512xf32> to vector<512x512xi32>
    %mul3A_1068 = vector.broadcast %max3A_972 : vector<512x1xi32> to vector<512x512xi32>
    %mul3A_1069 = arith.muli %convert_element_type3A_1067, %mul3A_1068 : vector<512x512xi32>
    %sub3A_1070 = arith.subi %add3A_1062, %mul3A_1069 : vector<512x512xi32>
    %lt3A_1071 = arith.constant 0 : i32
    %lt3A_1072 = vector.broadcast %lt3A_1071 : i32 to vector<512x512xi32>
    %lt3A_1073 = arith.cmpi slt, %sub3A_1070, %lt3A_1072 : vector<512x512xi32>
    %add3A_1074 = vector.broadcast %max3A_972 : vector<512x1xi32> to vector<512x512xi32>
    %add3A_1075 = arith.addi %sub3A_1070, %add3A_1074 : vector<512x512xi32>
    %select_n3A_1076 = arith.select %lt3A_1073, %add3A_1075, %sub3A_1070 : vector<512x512xi1>, vector<512x512xi32>
    %ge3A_1077 = vector.broadcast %max3A_972 : vector<512x1xi32> to vector<512x512xi32>
    %ge3A_1078 = arith.cmpi sge, %select_n3A_1076, %ge3A_1077 : vector<512x512xi32>
    %sub3A_1079 = vector.broadcast %max3A_972 : vector<512x1xi32> to vector<512x512xi32>
    %sub3A_1080 = arith.subi %select_n3A_1076, %sub3A_1079 : vector<512x512xi32>
    %select_n3A_1081 = arith.select %ge3A_1078, %sub3A_1080, %select_n3A_1076 : vector<512x512xi1>, vector<512x512xi32>
    %broadcast_in_dim3A_1082 = vector.shape_cast %and3A_969 : vector<512x1xi1> to vector<512x1xi1>
    %broadcast_in_dim3A_1083 = vector.broadcast %broadcast_in_dim3A_1082 : vector<512x1xi1> to vector<512x512xi1>
    %select_n3A_1084 = arith.select %broadcast_in_dim3A_1083, %select_n3A_1081, %iota3A_14 : vector<512x512xi1>, vector<512x512xi32>
    %add3A_1085 = arith.constant 1 : i32
    %add3A_1086 = vector.broadcast %add3A_1085 : i32 to vector<512x1xi32>
    %add3A_1087 = arith.addi %convert_element_type3A_48, %add3A_1086 : vector<512x1xi32>
    %add3A_1088 = vector.broadcast %add3A_1087 : vector<512x1xi32> to vector<512x512xi32>
    %add3A_1089 = arith.addi %add3A_1088, %select_n3A_1084 : vector<512x512xi32>
    %jit3A = arith.constant 0 : i32
    %jit3A_1090 = arith.constant 511 : i32
    %max3A_1091 = vector.broadcast %jit3A : i32 to vector<512x512xi32>
    %max3A_1092 = arith.maxsi %max3A_1091, %add3A_1089 : vector<512x512xi32>
    %min3A = vector.broadcast %jit3A_1090 : i32 to vector<512x512xi32>
    %min3A_1093 = arith.minsi %min3A, %max3A_1092 : vector<512x512xi32>
    %convert_element_type3A_1094 = arith.fptosi %dot_general3A_62 : vector<1x512xf32> to vector<1x512xi32>
    %ne3A = vector.broadcast %convert_element_type3A_1094 : vector<1x512xi32> to vector<512x512xi32>
    %ne3A_1095 = vector.broadcast %convert_element_type3A_22 : vector<512x1xi32> to vector<512x512xi32>
    %ne3A_1096 = arith.cmpi ne, %ne3A, %ne3A_1095 : vector<512x512xi32>
    %and3A_1097 = vector.broadcast %and3A : vector<512x1xi1> to vector<512x512xi1>
    %and3A_1098 = arith.andi %ne3A_1096, %and3A_1097 : vector<512x512xi1>
    %lt3A_1099 = vector.broadcast %shift_right_logical3A_960 : vector<512x1xi32> to vector<512x512xi32>
    %lt3A_1100 = arith.cmpi slt, %convert_element_type3A_940, %lt3A_1099 : vector<512x512xi32>
    %and3A_1101 = arith.andi %and3A_1098, %lt3A_1100 : vector<512x512xi1>
    %jit3A_1102 = arith.constant 0 : i32
    %jit3A_1103 = arith.constant 511 : i32
    %max3A_1104 = vector.broadcast %jit3A_1102 : i32 to vector<512x512xi32>
    %max3A_1105 = arith.maxsi %max3A_1104, %convert_element_type3A_940 : vector<512x512xi32>
    %min3A_1106 = vector.broadcast %jit3A_1103 : i32 to vector<512x512xi32>
    %min3A_1107 = arith.minsi %min3A_1106, %max3A_1105 : vector<512x512xi32>
    %jit3A_1108 = arith.constant 0 : i32
    %jit3A_1109 = arith.constant 2048 : i32
    %broadcast_in_dim3A_1110 = vector.broadcast %jit3A_1108 : i32 to vector<512x512xi32>
    %broadcast_in_dim3A_1111 = vector.broadcast %jit3A_1109 : i32 to vector<512x512xi32>
    %select_n3A_1112 = arith.select %and3A_1101, %broadcast_in_dim3A_1110, %broadcast_in_dim3A_1111 : vector<512x512xi1>, vector<512x512xi32>
    %add3A_1113 = arith.addi %min3A_1107, %select_n3A_1112 : vector<512x512xi32>
    %mul3A_1114 = arith.constant 4096 : i32
    %mul3A_1115 = vector.broadcast %mul3A_1114 : i32 to vector<512x512xi32>
    %mul3A_1116 = arith.muli %min3A_1093, %mul3A_1115 : vector<512x512xi32>
    %add3A_1117 = arith.addi %add3A_1113, %mul3A_1116 : vector<512x512xi32>
    %swap3A = arith.constant 0 : index
    %swap3A_1118 = arith.constant 0 : index
    %swap3A_1119 = vector.load %arg4[%swap3A, %swap3A_1118] : memref<512x512xi32, #tpu.memory_space<vmem>>, vector<512x512xi32>
    tpu.vector_store %arg4[%swap3A, %swap3A_1118], %add3A_1117 {strides = array<i32>} : memref<512x512xi32, #tpu.memory_space<vmem>>, vector<512x512xi32>,
    %swap3A_1120 = arith.constant 0 : index
    %swap3A_1121 = arith.constant 0 : index
    %swap3A_1122 = vector.load %arg5[%swap3A_1120, %swap3A_1121] : memref<512x512xf32, #tpu.memory_space<vmem>>, vector<512x512xf32>
    tpu.vector_store %arg5[%swap3A_1120, %swap3A_1121], %dot_general3A_56 {strides = array<i32>} : memref<512x512xf32, #tpu.memory_space<vmem>>, vector<512x512xf32>,
    return
  }
}

</mosaic_0001>

<sc_bundles>
// kernel: kernel.4.cloned.1.call-start
scs
__scs_entry_jumppad:
0x0: {  	(pc) =	sbr.rel $0x88, $3  }
0x1: {  	(tag) =	ssettag $0x0;
	lr =	simm.s32 $0x1  }
0x2: {  	[smem:$0x3F9F] =	sst lr;
	_ =	strace $0xD0000000  }
0x3: {  	_ = 	snop  }
0x4: {  	_ = 	snop  }
0x5: {  	_ = 	snop  }
0x6: {  	_ = 	snop  }
0x7: {  	_ = 	snop  }
__scs_overlays_trampoline_lowered:
0x8: {  	[smem:$0x3FAE] =	sst s0  }
0x9: {  	[smem:$0x3FAF] =	sst s1  }
0xa: {  	[smem:$0x3FB0] =	sst s2  }
0xb: {  	[smem:$0x3FB1] =	sst s3  }
0xc: {  	[smem:$0x3FB2] =	sst s4  }
0xd: {  	[smem:$0x3FB3] =	sst s5  }
0xe: {  	[smem:$0x3FB4] =	sst s6  }
0xf: {  	[smem:$0x3FB5] =	sst s7  }
0x10: {  	[smem:$0x3FB6] =	sst s8  }
0x11: {  	[smem:$0x3FB7] =	sst s9;
	s0 =	simm.s32 @!p0 $0x0  }
0x12: {  	s1 =	sld [smem:$0x3F9D];
	s0 =	simm.s32 @p0 $0x1  }
0x13: {  	[smem:$0x3FB8] =	sst s0;
	s0 =	simm.s32 @!p1 $0x0  }
0x14: {  	s2 =	sld [smem:$0x3F9C];
	s0 =	simm.s32 @p1 $0x1  }
0x15: {  	[smem:$0x3FB9] =	sst s0;
	s0 =	simm.s32 @!p2 $0x0  }
0x16: {  	s3 =	sld [smem:$0x3FDB];
	s0 =	simm.s32 @p2 $0x1  }
0x17: {  	s4 =	simm.s32 $0x1BF5;
	[smem:$0x3FBB] =	sst s0  }
0x18: {  	s0 =	sld [smem:$0x3F9E];
	_ =	swait.ge [sflag:s4], $0x0  }
0x19: {  	s7 =	sld [smem:$0x3F9F]  }
0x1a: {  	s8 =	sadd.s32 $0xFFFFE003, lr  }
0x1b: {  	s9 =	sadd.s32 $0xFFFFFEF7, lr;
	s5 =	simm.s32 $0xFFFFFFFF;
	p2 =	slt.u32 s8, $0xFFFFF086  }
0x1c: {  	p1 =	slt.u32 s9, $0xF7A;
	s5 =	simm.s32 @!p2 $0x0  }
0x1d: {  	s5 =	simm.s32 @p1 $0x1;
	p0 =	seq.s32 s7, s2  }
0x1e: {  	s7 =	smul.u32 @!p0 $0xF7A, s2;
	p2 =	seq.s32 @!p0 s5, $0x0  }
0x1f: {  	s9 =	smul.u32 $0xF7A, s1;
	s8 =	simm.s32 @!p0 $0x1BF5;
	p2 =	por !p2, p0  }
0x20: {  	[sflag:s8] =	ssyncset.s32 @!p0 $0xFFFFF086;
	s6 =	sadd.s32 @!p0 s3, s7;
	s7 =	simm.s32 @!p0 $0x108  }
0x21: {  	s3 =	sadd.s32 s3, s9;
	s6 =	sadd.s32 @!p0 $0x88, s6;
	s7 =	simm.s32 @p2 $0x1082  }
0x22: {  	[simem:s7], [sflag:s8] =	dma.local @!p0 [hbm:s6], $0xF7A  }
0x23: {  	s9 =	sor.u32 $0xD0000000, s2;
	s6 =	simm.s32 $0x108;
	_ =	swait.ge @!p0 [sflag:s8], $0x0  }
0x24: {  	s3 =	sadd.s32 $0x88, s3;
	s6 =	simm.s32 @!p1 $0x1082;
	[sflag:s4] =	ssyncset.s32 $0xFFFFF086  }
0x25: {  	[simem:s6], [sflag:s4] =	dma.local [hbm:s3], $0xF7A  }
0x26: {  	[smem:$0x3F9F] =	sst s1;
	(tag) =	ssettag s2;
	_ =	strace s9  }
0x27: {  	s1 =	sld [smem:$0x3FAF]  }
0x28: {  	s2 =	sld [smem:$0x3FB0]  }
0x29: {  	s4 =	sld [smem:$0x3FB2]  }
0x2a: {  	p0 =	seq.s32 s5, $0x0;
	s5 =	sld [smem:$0x3FB3]  }
0x2b: {  	s6 =	sld [smem:$0x3FB4]  }
0x2c: {  	s7 =	sld [smem:$0x3FB5]  }
0x2d: {  	s3 =	simm.s32 $0x108;
	s8 =	sld [smem:$0x3FB6]  }
0x2e: {  	s3 =	simm.s32 @!p0 $0x1082;
	s9 =	sld [smem:$0x3FB7]  }
0x2f: {  	lr =	sadd.s32 s0, s3;
	s0 =	sld [smem:$0x3FAE]  }
0x30: {  	s3 =	sld [smem:$0x3FB1]  }
0x31: {  	[smem:$0x3FBA] =	sst s10  }
0x32: {  	s10 =	sld [smem:$0x3FB8];
	_ =	sdelay $0x3  }
0x33: {  	p0 =	seq.s32 s10, $0x1;
	s10 =	sld [smem:$0x3FBA];
	_ =	sdelay $0x3  }
0x34: {  	[smem:$0x3FBA] =	sst s10  }
0x35: {  	s10 =	sld [smem:$0x3FB9];
	_ =	sdelay $0x3  }
0x36: {  	p1 =	seq.s32 s10, $0x1;
	s10 =	sld [smem:$0x3FBA];
	_ =	sdelay $0x3  }
0x37: {  	[smem:$0x3FBA] =	sst s10  }
0x38: {  	s10 =	sld [smem:$0x3FBB]  }
0x39: {  	_ = 	snop;
	(pc) =	sbr.ind lr, $3  }
0x3a: {  	_ = 	snop  }
0x3b: {  	_ = 	snop  }
0x3c: {  	p2 =	seq.s32 s10, $0x1;
	s10 =	sld [smem:$0x3FBA]  }
0x3d: {  	_ =	shalt  }
0x3e: {  	_ =	shalt  }
0x3f: {  	_ =	shalt  }
0x40: {  	_ =	shalt  }
0x41: {  	_ =	shalt  }
0x42: {  	_ =	shalt  }
0x43: {  	_ =	shalt  }
0x44: {  	_ =	shalt  }
0x45: {  	_ =	shalt  }
0x46: {  	_ =	shalt  }
0x47: {  	_ =	shalt  }
0x48: {  	_ =	shalt  }
0x49: {  	_ =	shalt  }
0x4a: {  	_ =	shalt  }
0x4b: {  	_ =	shalt  }
0x4c: {  	_ =	shalt  }
0x4d: {  	_ =	shalt  }
0x4e: {  	_ =	shalt  }
0x4f: {  	_ =	shalt  }
0x50: {  	_ =	shalt  }
0x51: {  	_ =	shalt  }
0x52: {  	_ =	shalt  }
0x53: {  	_ =	shalt  }
0x54: {  	_ =	shalt  }
0x55: {  	_ =	shalt  }
0x56: {  	_ =	shalt  }
0x57: {  	_ =	shalt  }
0x58: {  	_ =	shalt  }
0x59: {  	_ =	shalt  }
0x5a: {  	_ =	shalt  }
0x5b: {  	_ =	shalt  }
0x5c: {  	_ =	shalt  }
0x5d: {  	_ =	shalt  }
0x5e: {  	_ =	shalt  }
0x5f: {  	_ =	shalt  }
0x60: {  	_ =	shalt  }
0x61: {  	_ =	shalt  }
0x62: {  	_ =	shalt  }
0x63: {  	_ =	shalt  }
0x64: {  	_ =	shalt  }
0x65: {  	_ =	shalt  }
0x66: {  	_ =	shalt  }
0x67: {  	_ =	shalt  }
0x68: {  	_ =	shalt  }
0x69: {  	_ =	shalt  }
0x6a: {  	_ =	shalt  }
0x6b: {  	_ =	shalt  }
0x6c: {  	_ =	shalt  }
0x6d: {  	_ =	shalt  }
0x6e: {  	_ =	shalt  }
0x6f: {  	_ =	shalt  }
0x70: {  	_ =	shalt  }
0x71: {  	_ =	shalt  }
0x72: {  	_ =	shalt  }
0x73: {  	_ =	shalt  }
0x74: {  	_ =	shalt  }
0x75: {  	_ =	shalt  }
0x76: {  	_ =	shalt  }
0x77: {  	_ =	shalt  }
0x78: {  	_ =	shalt  }
0x79: {  	_ =	shalt  }
0x7a: {  	_ =	shalt  }
0x7b: {  	_ =	shalt  }
0x7c: {  	_ =	shalt  }
0x7d: {  	_ =	shalt  }
0x7e: {  	_ =	shalt  }
0x7f: {  	_ =	shalt  }
0x80: {  	_ =	shalt  }
0x81: {  	_ =	shalt  }
0x82: {  	_ =	shalt  }
0x83: {  	_ =	shalt  }
0x84: {  	_ =	shalt  }
0x85: {  	_ =	shalt  }
0x86: {  	_ =	shalt  }
0x87: {  	_ =	shalt  }
.Lfunc_end0:
.L_simem_size_0:
called_computation_lowered:
.L_overlay_start_0:
0x88: {  	s2 =	sld [smem:$0x3FD9]  }
0x89: {  	s3 =	sld [smem:$0x3FFE];
	_ =	sdelay $0x1  }
0x8a: {  	s1 =	srdreg.scid  }
0x8b: {  	s0 =	sand.u32 $0x1, s1  }
0x8c: {  	s16 =	sshll.u32 s0, $0xA;
	s2 =	sadd.s32 s3, s2  }
0x8d: {  	s2 =	sadd.s32 s2, s16  }
0x8e: {  	[smem:$0x3FC6] =	sst s2  }
0x8f: {  	_ = 	snop  }
0x90: {  	(tm) =	ssettm $0x1  }
0x91: {  	s17 =	sld [smem:$0x3FFB];
	_ =	sdelay $0x3  }
0x92: {  	_ =	strace s17  }
0x93: {  	s2 =	sld [smem:$0x3FFC];
	_ =	sdelay $0x3  }
0x94: {  	_ =	strace s2  }
0x95: {  	s2 =	sld [smem:$0x3FFD];
	_ =	sdelay $0x3  }
0x96: {  	_ =	strace s2  }
0x97: {  	_ =	strace $0x8FFFFFFF  }
0x98: {  	s18 =	sld [smem:$0x3FDB];
	_ =	sdelay $0x1  }
0x99: {  	s19 =	simm.s32 $_scs_section_size  }
0x9a: {  	s4 =	simm.s32 $_size__tile_overlayer_lowered;
	s5 =	simm.s32 $_tile_overlayer_lowered  }
0x9b: {  	s22 =	simm.s32 $0x1BFF;
	s21 =	sshll.u32 s5, $0x1;
	s2 =	sadd.s32 s19, s18  }
0x9c: {  	s6 =	simm.s32 $0x0;
	s20 =	sshll.u32 s4, $0x1;
	s4 =	sadd.s32 s21, s2  }
0x9d: {  	[timem:s6], [sflag:s22] =	dma.local [hbm:s4], s20  }
0x9e: {  	_ =	swait.ge [sflag:s22], s20  }
0x9f: {  	s3 =	ssub.s32 $0x0, s20;
	[sflag:s22] =	ssyncset.done $0x0  }
0xa0: {  	[sflag:s22] =	ssyncadd.s32 s3;
	_ =	sdelay $0x1  }
0xa1: {  	s23 =	simm.s32 $0x1B8B  }
0xa2: {  	_ =	swait.ge [sflag:s23], $0x1  }
0xa3: {  	[sflag:s23] =	ssyncset.done $0x0  }
0xa4: {  	s25 =	simm.s32 $0x1B8E;
	s24 =	sld [smem:$0x3FFE];
	[sflag:s23] =	ssyncadd.s32 $0xFFFFFFFF  }
0xa5: {  	s26 =	simm.s32 $execute0_lowered;
	[smem:$0x3FD2] =	sst s25  }
0xa6: {  	s4 =	sshll.u32 s26, $0x1;
	_ =	strace $0x80000046;
	[dreg:$0x1] =	wrdreg $0xFFFFFFFF  }
0xa7: {  	s28 =	simm.s32 $_size_execute0_lowered;
	s2 =	sadd.s32 s2, s4;
	[dreg:$0x0] =	wrdreg $0x0  }
0xa8: {  	s4 =	sshll.u32 s28, $0x1;
	[dreg:$0x2] =	wrdreg s2  }
0xa9: {  	[dreg:$0x3] =	wrdreg s4  }
0xaa: {  	[dreg:$0x4] =	wrdreg $0xC0  }
0xab: {  	_ =	task [dreg:s6], $0x5FFFF  }
0xac: {  	[dreg:$0x1] =	wrdreg $0xFFFFFFFF  }
0xad: {  	[dreg:$0x0] =	wrdreg $0x60  }
0xae: {  	[dreg:$0x2] =	wrdreg s24  }
0xaf: {  	[dreg:$0x3] =	wrdreg $0x9  }
0xb0: {  	_ =	task.clear_ibuf [dreg:s6], $0x4FFFF;
	_ =	strace $0x90000046  }
0xb1: {  	s29 =	simm.s32 $0x9;
	_ =	strace $0x80000048  }
0xb2: {  	_ =	swait.ge [sflag:s29], $0x1  }
0xb3: {  	[sflag:s29] =	ssyncadd.s32 $0xFFFFFFFF  }
0xb4: {  	_ =	strace $0x90000048  }
0xb5: {  	_ =	sfence  }
0xb6: {  	s30 =	sld [smem:$0x0];
	_ =	sdelay $0x2  }
0xb7: {  	s31 =	sshll.u32 s1, $0xD;
	s1 =	sshrl.u32 s1, $0x2  }
0xb8: {  	s3 =	sand.u32 $0x4000, s31;
	s1 =	sadd.s32 s1, s30  }
0xb9: {  	s0 =	sor.u32 s3, s0;
	s1 =	sshll.u32 s1, $0x11  }
0xba: {  	s0 =	sor.u32 s1, s0  }
0xbb: {  	s0 =	sadd.s32 $0x8F2B, s0  }
0xbc: {  	[sflag:s0] =	ssyncadd.remote.s32 $0x1  }
0xbd: {  	_ =	sfence.sel $0xFFFF  }
0xbe: {  	[dreg:$0x0] =	wrdreg $0xFFFFFFFF;
	(pc) =	sbr.abs _section_cstart, $3  }
0xbf: {  	[dreg:$0x1] =	wrdreg $0xFFFFFFFF  }
0xc0: {  	_ =	task.clear_ibuf [dreg:s6], $0x2FFFF;
	_ =	strace $0x9FFFFFFF  }
0xc1: {  	(tm) =	ssettm $0x7FFFFFFF  }
tec
execute0_lowered:
.L_overlay_start_1:
0x0: {  	(tag) =	ssettag $0x1  }
0x1: {  	s3 =	rddreg [dreg:$0x0]  }
0x2: {  	s0 =	rddreg [dreg:$0x1];
	s4 =	srdreg.scid  }
0x3: {  	s2 =	simm.s32 $0x0;
	s1 =	stileid.u32;
	s8 =	simm.s32 $0x1  }
0x4: {  	s9 =	simm.s32 $0x4000;
	s10 =	simm.s32 $0x2;
	s4 =	sand.u32 $0x1, s4  }
0x5: {  	s11 =	simm.s32 $0x0;
	s5 =	sshll.u32 s1, $0x5;
	s6 =	sshll.u32 s4, $0x4  }
0x6: {  	[smem:$0x7FF] =	sst s2;
	s4 =	ssub.s32 $0x2, s4;
	s5 =	sor.u32 s6, s5  }
0x7: {  	_ =	strace $0x80000047;
	s7 =	sshrl.u32 s4, $0x1;
	s6 =	sshll.u32 s5, $0x6  }
0x8: {  	s5 =	sshrl.u32 s5, $0x3;
	s7 =	ssub.s32 s4, s7;
	s6 =	sadd.s32 s6, s3  }
0x9: {  	s5 =	sadd.s32 s5, s3;
	s3 =	sadd.s32 $0xE00, s6;
	s4 =	sadd.s32 $0x8E00, s6  }
0xa: {  	s5 =	sadd.s32 $0x10E00, s5;
	s6 =	smax.u32 s7, $0x1;
	s7 =	simm.s32 $0x2000  }
.LBB2_1:
0xb: {  	[tilespmem:s2], [sflag:$0x1] =	stream.linear.gather [hbm4b:s3+s2], $0x2000, $0x38;
	[tilespmem:$0x4080] =	vst v63  }
0xc: {  	_ = 	snop  }
0xd: {  	[tilespmem:s7], [sflag:$0x1] =	stream.linear.gather [hbm4b:s4+s2], $0x2000, $0x38;
	[tilespmem:$0x4080] =	vst v63  }
0xe: {  	_ =	swait.ge [sflag:s8], $0x2000  }
0xf: {  	s12 =	simm.s32 $0x0;
	s13 =	simm.s32 $0x0;
	[sflag:s8] =	ssyncset.done $0x0  }
0x10: {  	s14 =	simm.s32 $0x0;
	s12 =	sand.u32 $0xFFFFF000, s12;
	[sflag:s8] =	ssyncadd.s32 $0xFFFFE000  }
0x11: {  	s13 =	sand.u32 $0x380, s13;
	s12 =	sadd.s32 $0x0, s12;
	_ =	swait.ge [sflag:s8], $0x2000  }
0x12: {  	s25 =	sand.u32 $0xFFFFF000, s14;
	s12 =	sadd.s32 s13, s12;
	[sflag:s8] =	ssyncset.done $0x0  }
0x13: {  	s13 =	ssub.s32 s12, s25;
	[sflag:s8] =	ssyncadd.s32 $0xFFFFE000  }
0x14: {  	v7 =	vld [tilespmem:s13+$0x70]  }
0x15: {  	v8 =	vld [tilespmem:s13+$0x60]  }
0x16: {  	v9 =	vld [tilespmem:s13+$0x50]  }
0x17: {  	s26 =	simm.s32 $0x0;
	v10 =	vld [tilespmem:s13+$0x40]  }
0x18: {  	v0 =	vmov s26;
	v11 =	vld [tilespmem:s13+$0x30]  }
0x19: {  	v1 =	vshll.u32 v0, $0x9;
	v12 =	vld [tilespmem:s13+$0x20]  }
0x1a: {  	v19 =	vimm.f32 $0.0e+00;
	v0 =	vshll.u32 v0, $0x7;
	v21 =	vand.u32 $0x1000, v1;
	v13 =	vld [tilespmem:s13+$0x10]  }
0x1b: {  	v20 =	vand.u32 $0x380, v0;
	v14 =	vld [tilespmem:s13+$0x0];
	v0 =	vand.u32 $0x7F, v7;
	v1 =	vand.u32 $0x7F, v8  }
0x1c: {  	v2 =	vshll.u32 v8, $0x3;
	v3 =	vshll.u32 v7, $0x3;
	v4 =	vand.u32 $0x7F, v10  }
0x1d: {  	v5 =	vand.u32 $0x7F, v9;
	v6 =	vshll.u32 v9, $0x3;
	v15 =	vand.u32 $0x7F, v11  }
0x1e: {  	v16 =	vshll.u32 v10, $0x3;
	v17 =	vand.u32 $0x7F, v12;
	v18 =	vshll.u32 v11, $0x3  }
0x1f: {  	v22 =	vand.u32 $0x7F, v13;
	v23 =	vshll.u32 v12, $0x3;
	v24 =	vshll.u32 v13, $0x3  }
0x20: {  	v25 =	vand.u32 $0x7F, v14;
	v26 =	vshll.u32 v14, $0x3;
	v30 =	vand.u32 $0x800, v12  }
0x21: {  	s28 =	simm.s32 $0x80;
	v31 =	vand.u32 $0x800, v11;
	v32 =	vand.u32 $0x800, v10;
	v34 =	vand.u32 $0x800, v14  }
0x22: {  	s29 =	simm.s32 $0x20;
	s12 =	sand.u32 $0xFFFFF000, s28;
	v35 =	vand.u32 $0x800, v13;
	v2 =	vand.u32 $0xC00, v2;
	v3 =	vand.u32 $0xC00, v3  }
0x23: {  	s15 =	simm.s32 $0x400;
	s14 =	sand.u32 $0x380, s29;
	s12 =	sadd.s32 $0x400, s12;
	v16 =	vand.u32 $0xC00, v16;
	v6 =	vand.u32 $0xC00, v6;
	v23 =	vand.u32 $0xC00, v23  }
0x24: {  	s30 =	sand.u32 $0xFFFFF000, s15;
	s12 =	sadd.s32 s14, s12;
	v18 =	vand.u32 $0xC00, v18;
	v0 =	vor.u32 v3, v0;
	v3 =	vand.u32 $0xC00, v26  }
0x25: {  	s12 =	ssub.s32 s12, s30;
	v1 =	vor.u32 v2, v1;
	v2 =	vor.u32 v6, v5;
	v0 =	vor.u32 v21, v0  }
0x26: {  	v4 =	vor.u32 v16, v4;
	v5 =	vld [tilespmem:s12+$0x60];
	v1 =	vor.u32 v21, v1;
	v26 =	vor.u32 v20, v0  }
0x27: {  	v6 =	vld [tilespmem:s12+$0x50];
	v2 =	vor.u32 v21, v2;
	v4 =	vor.u32 v21, v4;
	v16 =	vor.u32 v20, v1  }
0x28: {  	v0 =	vld [tilespmem:s12+$0x70];
	v1 =	vor.u32 v18, v15;
	v2 =	vor.u32 v20, v2;
	v15 =	vor.u32 v23, v17  }
0x29: {  	v18 =	vor.u32 v20, v4;
	v4 =	vor.u32 v3, v25;
	v3 =	vld [tilespmem:s12+$0x30];
	v17 =	vor.u32 v21, v1  }
0x2a: {  	vm0 =	veq.s32 v34, $0x0;
	v1 =	vld [tilespmem:s12+$0x40];
	v15 =	vor.u32 v21, v15;
	v17 =	vor.u32 v20, v17  }
0x2b: {  	s31 =	simm.s32 $0x0;
	v23 =	vand.u32 $0xC00, v24;
	v4 =	vor.u32 v21, v4;
	v15 =	vor.u32 v20, v15;
	v24 =	vld.idx.msk [tilespmem:v26+s2+$0x0], $0xffff  }
0x2c: {  	v25 =	vmov s31;
	v26 =	vor.u32 v20, v4;
	v4 =	vor.u32 v23, v22;
	v27 =	vld.idx.msk [tilespmem:v16+s2+$0x0], $0xffff  }
0x2d: {  	v16 =	vshll.u32 v25, $0x9;
	v22 =	vshll.u32 v25, $0x7;
	v25 =	vld.idx.msk [tilespmem:v2+s2+$0x0], $0xffff;
	v23 =	vor.u32 v21, v4  }
0x2e: {  	vm10 =	veq.s32 v35, $0x0;
	vm11 =	veq.s32 v30, $0x0;
	v29 =	vld.idx.msk [tilespmem:v18+s2+$0x0], $0xffff;
	v28 =	vor.u32 v20, v23  }
0x2f: {  	v2 =	vand.u32 $0x380, v22;
	v22 =	vand.u32 $0x800, v8;
	v8 =	vand.u32 $0x800, v7;
	v7 =	vld.idx.msk [tilespmem:v17+s2+$0x0], $0xffff  }
0x30: {  	vm12 =	veq.s32 v31, $0x0;
	vm13 =	veq.s32 v32, $0x0;
	v12 =	vand.u32 $0x7F, v5;
	v33 =	vld.idx.msk [tilespmem:v15+s2+$0x0], $0xffff  }
0x31: {  	v13 =	vand.u32 $0x7F, v6;
	v11 =	vand.u32 $0x7F, v0;
	v10 =	vand.u32 $0x7F, v3;
	v14 =	vld.idx.msk [tilespmem:v26+s2+$0x0], $0xffff  }
0x32: {  	v4 =	vand.u32 $0x1000, v16;
	v16 =	vshll.u32 v5, $0x3;
	v18 =	vshll.u32 v1, $0x3  }
0x33: {  	v36 =	vshrl.u32 v25, $0x9;
	v37 =	vshrl.u32 v27, $0x9;
	v39 =	vshrl.u32 v29, $0xC;
	v26 =	vld.idx.msk [tilespmem:v28+s2+$0x0], $0xffff  }
0x34: {  	v29 =	vshrl.u32 v29, $0x9;
	v25 =	vshrl.u32 v25, $0xC;
	v27 =	vshrl.u32 v27, $0xC  }
0x35: {  	v29 =	vand.u32 $0x7FFC00, v29;
	v25 =	vand.u32 $0x7F, v25;
	v38 =	vshrl.u32 v7, $0xC  }
0x36: {  	v41 =	vshrl.u32 v33, $0xC;
	v7 =	vshrl.u32 v7, $0x9;
	v40 =	vshrl.u32 v14, $0x9  }
0x37: {  	v33 =	vshrl.u32 v33, $0x9;
	v14 =	vshrl.u32 v14, $0xC;
	v40 =	vand.u32 $0x7FFC00, v40  }
0x38: {  	v14 =	vand.u32 $0x7F, v14;
	v40 =	vadd.s32 v21, v40;
	v42 =	vshrl.u32 v26, $0x9  }
0x39: {  	v26 =	vshrl.u32 v26, $0xC;
	v14 =	vor.u32 v14, v40;
	v48 =	vand.u32 $0x7FFC00, v42  }
0x3a: {  	v26 =	vand.u32 $0x7F, v26;
	v14 =	vor.u32 v20, v14;
	v40 =	vadd.s32 v21, v48  }
0x3b: {  	v50 =	vld [tilespmem:s13+$0x2020];
	v33 =	vand.u32 $0x7FFC00, v33;
	v7 =	vand.u32 $0x7FFC00, v7;
	v26 =	vor.u32 v26, v40  }
0x3c: {  	v51 =	vld [tilespmem:s13+$0x2010];
	v49 =	vand.u32 $0x7F, v41;
	v33 =	vadd.s32 v21, v33;
	v26 =	vor.u32 v20, v26  }
0x3d: {  	v52 =	vld [tilespmem:s13+$0x2000];
	v38 =	vand.u32 $0x7F, v38;
	v7 =	vadd.s32 v21, v7;
	v33 =	vor.u32 v49, v33  }
0x3e: {  	v56 =	vld [tilespmem:s13+$0x2030];
	v28 =	vshrl.u32 v24, $0xC;
	v7 =	vor.u32 v38, v7;
	v33 =	vor.u32 v20, v33  }
0x3f: {  	v29 =	vadd.s32 v21, v29;
	v43 =	vor.u32 v20, v7;
	v7 =	vand.u32 $0x7F, v39;
	v53 =	vld.idx.msk [tilespmem:v14+s7+$0x0], $0xffff  }
0x40: {  	v58 =	vld [tilespmem:s13+$0x2040];
	v24 =	vshrl.u32 v24, $0x9;
	v7 =	vor.u32 v7, v29;
	v29 =	vand.u32 $0x7FFC00, v36  }
0x41: {  	v24 =	vand.u32 $0x7FFC00, v24;
	v54 =	vor.u32 v20, v7;
	v29 =	vadd.s32 v21, v29;
	v26 =	vld.idx.msk [tilespmem:v26+s7+$0x0], $0xffff  }
0x42: {  	v60 =	vld [tilespmem:s13+$0x2050];
	v24 =	vadd.s32 v21, v24;
	v25 =	vor.u32 v25, v29;
	v29 =	vand.u32 $0x7FFC00, v37  }
0x43: {  	v55 =	vor.u32 v20, v25;
	v25 =	vand.u32 $0x7F, v27;
	v27 =	vadd.s32 v21, v29;
	v33 =	vld.idx.msk [tilespmem:v33+s7+$0x0], $0xffff  }
0x44: {  	v29 =	vld.idx.msk [tilespmem:v43+s7+$0x0], $0xffff;
	v25 =	vor.u32 v25, v27;
	v27 =	vand.u32 $0x7F, v28;
	v28 =	vsub.f32 v52, v53  }
0x45: {  	v62 =	vld [tilespmem:s13+$0x2060];
	v23 =	vand.u32 $0x800, v9;
	v57 =	vor.u32 v20, v25;
	v24 =	vor.u32 v27, v24  }
0x46: {  	v36 =	vld.idx.msk [tilespmem:v54+s7+$0x0], $0xffff;
	v24 =	vor.u32 v20, v24;
	v28 =	vadd.f32 $1.500000060e-01, v28;
	v26 =	vsub.f32 v51, v26  }
0x47: {  	v17 =	vshll.u32 v0, $0x3;
	v9 =	vand.u32 $0x7F, v1;
	v15 =	vshll.u32 v6, $0x3;
	v7 =	vld [tilespmem:s12+$0x10]  }
0x48: {  	v59 =	vld.idx.msk [tilespmem:v55+s7+$0x0], $0xffff;
	v33 =	vsub.f32 v50, v33;
	v28 =	vmax.f32 v28, $0.0e+00;
	v26 =	vadd.f32 $1.500000060e-01, v26  }
0x49: {  	vm15 =	veq.s32 v22, $0x0;
	v14 =	vld [tilespmem:s12+$0x20];
	v29 =	vsub.f32 v56, v29;
	v28 =	vnsel vm0, $0x0, v28  }
0x4a: {  	v61 =	vld.idx.msk [tilespmem:v57+s7+$0x0], $0xffff;
	v19 =	vadd.f32 v28, v19;
	v26 =	vmax.f32 v26, $0.0e+00;
	v28 =	vadd.f32 $1.500000060e-01, v33  }
0x4b: {  	vm14 =	veq.s32 v23, $0x0;
	v30 =	vsub.f32 v58, v36;
	v24 =	vld.idx.msk [tilespmem:v24+s7+$0x0], $0xffff;
	v26 =	vnsel vm10, $0x0, v26  }
0x4c: {  	v19 =	vadd.f32 v26, v19;
	v26 =	vmax.f32 v28, $0.0e+00;
	v28 =	vadd.f32 $1.500000060e-01, v29;
	v29 =	vld [tilespmem:s13+$0x2070]  }
0x4d: {  	v25 =	vshll.u32 v3, $0x3;
	v31 =	vsub.f32 v60, v59;
	v26 =	vnsel vm11, $0x0, v26  }
0x4e: {  	v26 =	vadd.f32 v26, v19;
	v19 =	vmax.f32 v28, $0.0e+00;
	v28 =	vadd.f32 $1.500000060e-01, v30  }
0x4f: {  	v20 =	vand.u32 $0x7F, v7;
	v63 =	vsub.f32 v62, v61;
	v30 =	vnsel vm12, $0x0, v19  }
0x50: {  	v19 =	vld [tilespmem:s12+$0x0];
	v26 =	vadd.f32 v30, v26;
	v28 =	vmax.f32 v28, $0.0e+00;
	v30 =	vadd.f32 $1.500000060e-01, v31  }
0x51: {  	v21 =	vand.u32 $0x7F, v14;
	v28 =	vnsel vm13, $0x0, v28;
	v23 =	vsub.f32 v29, v24  }
0x52: {  	v29 =	vadd.f32 $1.500000060e-01, v63;
	v26 =	vadd.f32 v28, v26;
	v28 =	vmax.f32 v30, $0.0e+00  }
0x53: {  	v27 =	vshll.u32 v14, $0x3;
	v24 =	vshll.u32 v7, $0x3;
	v28 =	vnsel vm14, $0x0, v28  }
0x54: {  	v22 =	vadd.f32 v28, v26;
	v28 =	vmax.f32 v29, $0.0e+00;
	v26 =	vadd.f32 $1.500000060e-01, v23  }
0x55: {  	s15 =	simm.s32 $0x10;
	s14 =	simm.s32 $0x8;
	s13 =	simm.s32 $0x400;
	v23 =	vand.u32 $0x7F, v19;
	v29 =	vshll.u32 v19, $0x3;
	v28 =	vnsel vm15, $0x0, v28  }
.LBB2_2:
0x56: {  	s16 =	sshll.u32 s15, $0x4;
	v22 =	vadd.f32 v28, v22;
	v26 =	vmax.f32 v26, $0.0e+00;
	vm0 =	veq.s32 v8, $0x0  }
0x57: {  	s17 =	sshll.u32 s15, $0x2;
	v8 =	vand.u32 $0xC00, v16;
	v16 =	vand.u32 $0xC00, v17;
	s13 =	sadd.s32 $0x400, s13;
	s16 =	sand.u32 $0xFFFFF000, s16;
	v17 =	vnsel vm0, $0x0, v26  }
0x58: {  	s18 =	sshll.u32 s15, $0x7;
	v18 =	vand.u32 $0xC00, v18;
	v15 =	vand.u32 $0xC00, v15;
	s17 =	sand.u32 $0x380, s17;
	s16 =	sadd.s32 s16, s13;
	v22 =	vadd.f32 v17, v22  }
0x59: {  	v25 =	vand.u32 $0xC00, v25;
	v11 =	vor.u32 v16, v11;
	v17 =	vand.u32 $0xC00, v27;
	s16 =	sadd.s32 s17, s16;
	s17 =	sand.u32 $0xFFFFF000, s18  }
0x5a: {  	v16 =	vand.u32 $0xC00, v29;
	v8 =	vor.u32 v8, v12;
	v11 =	vor.u32 v4, v11;
	s16 =	ssub.s32 s16, s17  }
0x5b: {  	v13 =	vor.u32 v15, v13;
	v8 =	vor.u32 v4, v8;
	v11 =	vor.u32 v2, v11;
	v12 =	vld [tilespmem:s16+$0x70]  }
0x5c: {  	v9 =	vor.u32 v18, v9;
	v13 =	vor.u32 v4, v13;
	v8 =	vor.u32 v2, v8;
	v15 =	vld [tilespmem:s16+$0x60]  }
0x5d: {  	v10 =	vor.u32 v25, v10;
	v9 =	vor.u32 v4, v9;
	v13 =	vor.u32 v2, v13;
	v18 =	vld [tilespmem:s16+$0x50]  }
0x5e: {  	v10 =	vor.u32 v4, v10;
	v17 =	vor.u32 v17, v21;
	v9 =	vor.u32 v2, v9;
	v25 =	vld [tilespmem:s16+$0x40]  }
0x5f: {  	s14 =	sadd.s32 $0x8, s14;
	v16 =	vor.u32 v16, v23;
	v10 =	vor.u32 v2, v10;
	v17 =	vor.u32 v4, v17;
	v21 =	vld [tilespmem:s16+$0x30]  }
0x60: {  	p0 =	slt.u32 s14, $0x1F8;
	v23 =	vand.u32 $0xC00, v24;
	v16 =	vor.u32 v4, v16;
	s17 =	sshrl.u32 s14, $0x5;
	v17 =	vor.u32 v2, v17;
	v27 =	vld.idx.msk [tilespmem:v11+s2+$0x0], $0xffff  }
0x61: {  	v20 =	vor.u32 v23, v20;
	v16 =	vor.u32 v2, v16;
	v11 =	vmov s17;
	v30 =	vld.idx.msk [tilespmem:v8+s2+$0x0], $0xffff  }
0x62: {  	v23 =	vor.u32 v4, v20;
	v8 =	vshll.u32 v11, $0x9;
	v11 =	vshll.u32 v11, $0x7;
	v31 =	vld.idx.msk [tilespmem:v13+s2+$0x0], $0xffff  }
0x63: {  	v33 =	vor.u32 v2, v23;
	v32 =	vand.u32 $0x1000, v8;
	v20 =	vand.u32 $0x380, v11;
	v34 =	vld.idx.msk [tilespmem:v9+s2+$0x0], $0xffff  }
0x64: {  	v24 =	vand.u32 $0x800, v6;
	v23 =	vand.u32 $0x800, v5;
	v5 =	vmovc v15;
	v8 =	vand.u32 $0x800, v0;
	v0 =	vmovc v12;
	v35 =	vld.idx.msk [tilespmem:v10+s2+$0x0], $0xffff  }
0x65: {  	v28 =	vand.u32 $0x800, v3;
	v29 =	vand.u32 $0x800, v14;
	v26 =	vand.u32 $0x800, v1;
	v6 =	vmovc v18;
	v1 =	vmovc v25;
	v36 =	vld.idx.msk [tilespmem:v17+s2+$0x0], $0xffff  }
0x66: {  	v19 =	vand.u32 $0x800, v19;
	v37 =	vand.u32 $0x800, v7;
	v11 =	vand.u32 $0x7F, v0;
	v3 =	vmovc v21;
	v14 =	vld.idx.msk [tilespmem:v16+s2+$0x0], $0xffff  }
0x67: {  	v12 =	vand.u32 $0x7F, v5;
	v17 =	vshll.u32 v0, $0x3;
	v16 =	vshll.u32 v5, $0x3  }
0x68: {  	v13 =	vand.u32 $0x7F, v6;
	v15 =	vshll.u32 v6, $0x3;
	v9 =	vand.u32 $0x7F, v1;
	v7 =	vld.idx.msk [tilespmem:v33+s2+$0x0], $0xffff  }
0x69: {  	v18 =	vshll.u32 v1, $0x3;
	v10 =	vand.u32 $0x7F, v3;
	v21 =	vshrl.u32 v27, $0xC  }
0x6a: {  	v27 =	vshrl.u32 v27, $0x9;
	v25 =	vshrl.u32 v31, $0x9;
	v33 =	vshrl.u32 v30, $0x9  }
0x6b: {  	v39 =	vshrl.u32 v34, $0xC;
	v34 =	vshrl.u32 v34, $0x9;
	v38 =	vshrl.u32 v35, $0xC  }
0x6c: {  	v35 =	vshrl.u32 v35, $0x9;
	v41 =	vshrl.u32 v36, $0xC;
	v40 =	vshrl.u32 v14, $0x9  }
0x6d: {  	v36 =	vshrl.u32 v36, $0x9;
	v14 =	vshrl.u32 v14, $0xC;
	v40 =	vand.u32 $0x7FFC00, v40  }
0x6e: {  	v14 =	vand.u32 $0x7F, v14;
	v40 =	vadd.s32 v4, v40;
	v42 =	vshrl.u32 v7, $0x9  }
0x6f: {  	v7 =	vshrl.u32 v7, $0xC;
	v14 =	vor.u32 v14, v40;
	v40 =	vand.u32 $0x7FFC00, v42  }
0x70: {  	v7 =	vand.u32 $0x7F, v7;
	v14 =	vor.u32 v2, v14;
	v40 =	vadd.s32 v4, v40  }
0x71: {  	v35 =	vand.u32 $0x7FFC00, v35;
	v36 =	vand.u32 $0x7FFC00, v36;
	v7 =	vor.u32 v7, v40  }
0x72: {  	v36 =	vadd.s32 v4, v36;
	v40 =	vand.u32 $0x7F, v41;
	v7 =	vor.u32 v2, v7;
	v41 =	vld [tilespmem:s12+$0x2020]  }
0x73: {  	v38 =	vand.u32 $0x7F, v38;
	v35 =	vadd.s32 v4, v35;
	v36 =	vor.u32 v40, v36;
	v42 =	vld [tilespmem:s12+$0x2010]  }
0x74: {  	v34 =	vand.u32 $0x7FFC00, v34;
	v35 =	vor.u32 v38, v35;
	v36 =	vor.u32 v2, v36;
	v40 =	vld [tilespmem:s12+$0x2000]  }
0x75: {  	v39 =	vand.u32 $0x7F, v39;
	v34 =	vadd.s32 v4, v34;
	v35 =	vor.u32 v2, v35;
	v38 =	vld.idx.msk [tilespmem:v14+s7+$0x0], $0xffff  }
0x76: {  	v31 =	vshrl.u32 v31, $0xC;
	v25 =	vand.u32 $0x7FFC00, v25;
	v34 =	vor.u32 v39, v34;
	v14 =	vld [tilespmem:s16+$0x20]  }
0x77: {  	v31 =	vand.u32 $0x7F, v31;
	v25 =	vadd.s32 v4, v25;
	v34 =	vor.u32 v2, v34;
	v39 =	vld.idx.msk [tilespmem:v7+s7+$0x0], $0xffff  }
0x78: {  	v30 =	vshrl.u32 v30, $0xC;
	v25 =	vor.u32 v31, v25;
	v31 =	vand.u32 $0x7FFC00, v33;
	v7 =	vld [tilespmem:s16+$0x10]  }
0x79: {  	v33 =	vld.idx.msk [tilespmem:v36+s7+$0x0], $0xffff;
	v36 =	vor.u32 v2, v25;
	v25 =	vand.u32 $0x7F, v30;
	v30 =	vadd.s32 v4, v31  }
0x7a: {  	v31 =	vld.idx.msk [tilespmem:v35+s7+$0x0], $0xffff;
	v25 =	vor.u32 v25, v30;
	v30 =	vand.u32 $0x7F, v21;
	v21 =	vand.u32 $0x7FFC00, v27  }
0x7b: {  	v27 =	vsub.f32 v40, v38;
	v35 =	vld [tilespmem:s12+$0x2030];
	v38 =	vor.u32 v2, v25;
	v40 =	vadd.s32 v4, v21;
	v4 =	vmovc v32  }
0x7c: {  	v21 =	vand.u32 $0x7F, v14;
	v25 =	vshll.u32 v3, $0x3;
	v32 =	vld.idx.msk [tilespmem:v34+s7+$0x0], $0xffff;
	v30 =	vor.u32 v30, v40  }
0x7d: {  	v34 =	vadd.f32 $1.500000060e-01, v27;
	v39 =	vsub.f32 v42, v39;
	v40 =	vld [tilespmem:s12+$0x2040];
	v30 =	vor.u32 v2, v30;
	v2 =	vmovc v20  }
0x7e: {  	vm0 =	veq.s32 v19, $0x0;
	v27 =	vshll.u32 v14, $0x3;
	v20 =	vand.u32 $0x7F, v7;
	v19 =	vld.idx.msk [tilespmem:v36+s7+$0x0], $0xffff  }
0x7f: {  	v34 =	vmax.f32 v34, $0.0e+00;
	v36 =	vadd.f32 $1.500000060e-01, v39;
	v33 =	vsub.f32 v41, v33;
	v39 =	vld [tilespmem:s12+$0x2050]  }
0x80: {  	v34 =	vnsel vm0, $0x0, v34;
	vm0 =	veq.s32 v37, $0x0;
	v31 =	vsub.f32 v35, v31;
	v35 =	vld.idx.msk [tilespmem:v38+s7+$0x0], $0xffff  }
0x81: {  	v22 =	vadd.f32 v34, v22;
	v34 =	vmax.f32 v36, $0.0e+00;
	v33 =	vadd.f32 $1.500000060e-01, v33;
	v36 =	vld [tilespmem:s12+$0x2060]  }
0x82: {  	v34 =	vnsel vm0, $0x0, v34;
	vm0 =	veq.s32 v29, $0x0;
	v29 =	vsub.f32 v40, v32;
	v30 =	vld.idx.msk [tilespmem:v30+s7+$0x0], $0xffff  }
0x83: {  	v22 =	vadd.f32 v34, v22;
	v32 =	vmax.f32 v33, $0.0e+00;
	v31 =	vadd.f32 $1.500000060e-01, v31;
	v33 =	vld [tilespmem:s12+$0x2070];
	s12 =	smov.u32 s16  }
0x84: {  	v32 =	vnsel vm0, $0x0, v32;
	vm0 =	veq.s32 v28, $0x0;
	v28 =	vsub.f32 v39, v19  }
0x85: {  	v22 =	vadd.f32 v32, v22;
	v19 =	vmax.f32 v31, $0.0e+00;
	v29 =	vadd.f32 $1.500000060e-01, v29  }
0x86: {  	v31 =	vnsel vm0, $0x0, v19;
	vm0 =	veq.s32 v26, $0x0;
	v26 =	vsub.f32 v36, v35  }
0x87: {  	v22 =	vadd.f32 v31, v22;
	v29 =	vmax.f32 v29, $0.0e+00;
	v28 =	vadd.f32 $1.500000060e-01, v28;
	v19 =	vld [tilespmem:s12+$0x0]  }
.Ltmp0:
0x88: {  	v29 =	vnsel vm0, $0x0, v29;
	vm0 =	veq.s32 v24, $0x0;
	v30 =	vsub.f32 v33, v30;
	(pc) =	sbr.rel @p0 .LBB2_2-.Ltmp0, $4  }
0x89: {  	v22 =	vadd.f32 v29, v22;
	v28 =	vmax.f32 v28, $0.0e+00;
	v26 =	vadd.f32 $1.500000060e-01, v26  }
0x8a: {  	v24 =	vshll.u32 v7, $0x3;
	v28 =	vnsel vm0, $0x0, v28;
	vm0 =	veq.s32 v23, $0x0  }
0x8b: {  	v22 =	vadd.f32 v28, v22;
	v28 =	vmax.f32 v26, $0.0e+00;
	v26 =	vadd.f32 $1.500000060e-01, v30  }
0x8c: {  	s15 =	sadd.s32 $0x8, s15;
	v28 =	vnsel vm0, $0x0, v28;
	v23 =	vand.u32 $0x7F, v19;
	v29 =	vshll.u32 v19, $0x3  }
0x8d: {  	v16 =	vand.u32 $0xC00, v16  }
0x8e: {  	v17 =	vand.u32 $0xC00, v17;
	v18 =	vand.u32 $0xC00, v18;
	v15 =	vand.u32 $0xC00, v15  }
0x8f: {  	v27 =	vand.u32 $0xC00, v27;
	v25 =	vand.u32 $0xC00, v25;
	v11 =	vor.u32 v17, v11  }
0x90: {  	v63 =	vand.u32 $0xC00, v29;
	v12 =	vor.u32 v16, v12;
	v11 =	vor.u32 v4, v11  }
0x91: {  	v13 =	vor.u32 v15, v13;
	v12 =	vor.u32 v4, v12;
	v11 =	vor.u32 v2, v11  }
0x92: {  	v9 =	vor.u32 v18, v9;
	v13 =	vor.u32 v4, v13;
	v12 =	vor.u32 v2, v12  }
0x93: {  	v10 =	vor.u32 v25, v10;
	v9 =	vor.u32 v4, v9;
	v13 =	vor.u32 v2, v13  }
0x94: {  	v21 =	vor.u32 v27, v21;
	v10 =	vor.u32 v4, v10;
	v9 =	vor.u32 v2, v9  }
0x95: {  	v23 =	vor.u32 v63, v23;
	v15 =	vor.u32 v4, v21;
	v10 =	vor.u32 v2, v10  }
0x96: {  	v24 =	vand.u32 $0xC00, v24;
	v16 =	vor.u32 v4, v23;
	v15 =	vor.u32 v2, v15;
	v11 =	vld.idx.msk [tilespmem:v11+s2+$0x0], $0xffff  }
0x97: {  	v17 =	vor.u32 v24, v20;
	v16 =	vor.u32 v2, v16;
	v12 =	vld.idx.msk [tilespmem:v12+s2+$0x0], $0xffff  }
0x98: {  	v17 =	vor.u32 v4, v17;
	v13 =	vld.idx.msk [tilespmem:v13+s2+$0x0], $0xffff  }
0x99: {  	v17 =	vor.u32 v2, v17;
	v9 =	vld.idx.msk [tilespmem:v9+s2+$0x0], $0xffff  }
0x9a: {  	v10 =	vld.idx.msk [tilespmem:v10+s2+$0x0], $0xffff  }
0x9b: {  	vm0 =	veq.s32 v8, $0x0;
	v6 =	vand.u32 $0x800, v6;
	v25 =	vadd.f32 v28, v22;
	v28 =	vld.idx.msk [tilespmem:v15+s2+$0x0], $0xffff  }
0x9c: {  	v5 =	vand.u32 $0x800, v5;
	v14 =	vand.u32 $0x800, v14;
	v3 =	vand.u32 $0x800, v3;
	v16 =	vld.idx.msk [tilespmem:v16+s2+$0x0], $0xffff  }
0x9d: {  	v46 =	vand.u32 $0x800, v19;
	v1 =	vand.u32 $0x800, v1;
	v27 =	vmax.f32 v26, $0.0e+00  }
0x9e: {  	v49 =	vand.u32 $0x800, v7;
	v29 =	vnsel vm0, $0x0, v27;
	v17 =	vld.idx.msk [tilespmem:v17+s2+$0x0], $0xffff;
	v30 =	vshrl.u32 v11, $0xC  }
0x9f: {  	v31 =	vshrl.u32 v13, $0x9;
	v32 =	vshrl.u32 v12, $0x9;
	v11 =	vshrl.u32 v11, $0x9  }
0xa0: {  	v33 =	vshrl.u32 v10, $0xC;
	v34 =	vshrl.u32 v9, $0xC;
	v9 =	vshrl.u32 v9, $0x9  }
0xa1: {  	v35 =	vshrl.u32 v16, $0x9;
	v36 =	vshrl.u32 v28, $0xC;
	v10 =	vshrl.u32 v10, $0x9  }
0xa2: {  	v16 =	vshrl.u32 v16, $0xC;
	v8 =	vshrl.u32 v28, $0x9;
	v24 =	vand.u32 $0x7FFC00, v35  }
0xa3: {  	v37 =	vshrl.u32 v17, $0x9;
	v16 =	vand.u32 $0x7F, v16;
	v24 =	vadd.s32 v4, v24  }
0xa4: {  	v17 =	vshrl.u32 v17, $0xC;
	v38 =	vand.u32 $0x7FFC00, v37;
	v16 =	vor.u32 v16, v24  }
0xa5: {  	v17 =	vand.u32 $0x7F, v17;
	v24 =	vadd.s32 v4, v38;
	v16 =	vor.u32 v2, v16  }
0xa6: {  	v8 =	vand.u32 $0x7FFC00, v8;
	v10 =	vand.u32 $0x7FFC00, v10;
	v17 =	vor.u32 v17, v24  }
0xa7: {  	v39 =	vand.u32 $0x7F, v36;
	v8 =	vadd.s32 v4, v8;
	v17 =	vor.u32 v2, v17  }
0xa8: {  	v40 =	vld [tilespmem:s12+$0x2020];
	v22 =	vand.u32 $0x7F, v33;
	v10 =	vadd.s32 v4, v10;
	v8 =	vor.u32 v39, v8  }
0xa9: {  	v41 =	vld [tilespmem:s12+$0x2000];
	v9 =	vand.u32 $0x7FFC00, v9;
	v10 =	vor.u32 v22, v10;
	v8 =	vor.u32 v2, v8  }
0xaa: {  	v23 =	vand.u32 $0x7F, v34;
	v9 =	vadd.s32 v4, v9;
	v10 =	vor.u32 v2, v10;
	v16 =	vld.idx.msk [tilespmem:v16+s7+$0x0], $0xffff  }
0xab: {  	v42 =	vld [tilespmem:s12+$0x2010];
	v13 =	vshrl.u32 v13, $0xC;
	v20 =	vand.u32 $0x7FFC00, v31;
	v9 =	vor.u32 v23, v9  }
0xac: {  	v13 =	vand.u32 $0x7F, v13;
	v20 =	vadd.s32 v4, v20;
	v9 =	vor.u32 v2, v9;
	v17 =	vld.idx.msk [tilespmem:v17+s7+$0x0], $0xffff  }
0xad: {  	v44 =	vld [tilespmem:s12+$0x2030];
	v12 =	vshrl.u32 v12, $0xC;
	v43 =	vand.u32 $0x7FFC00, v32;
	v13 =	vor.u32 v13, v20  }
0xae: {  	v12 =	vand.u32 $0x7F, v12;
	v20 =	vadd.s32 v4, v43;
	v13 =	vor.u32 v2, v13;
	v8 =	vld.idx.msk [tilespmem:v8+s7+$0x0], $0xffff  }
0xaf: {  	v11 =	vand.u32 $0x7FFC00, v11;
	v12 =	vor.u32 v12, v20;
	v10 =	vld.idx.msk [tilespmem:v10+s7+$0x0], $0xffff;
	v16 =	vsub.f32 v41, v16  }
0xb0: {  	v47 =	vld [tilespmem:s12+$0x2040];
	v18 =	vand.u32 $0x7F, v30;
	v45 =	vadd.s32 v4, v11;
	v12 =	vor.u32 v2, v12  }
0xb1: {  	v4 =	vor.u32 v18, v45;
	v9 =	vld.idx.msk [tilespmem:v9+s7+$0x0], $0xffff;
	v17 =	vsub.f32 v42, v17;
	v16 =	vadd.f32 $1.500000060e-01, v16  }
0xb2: {  	v53 =	vld [tilespmem:s12+$0x2050];
	vm8 =	veq.s32 v46, $0x0;
	v15 =	vadd.f32 v29, v25;
	v48 =	vor.u32 v2, v4  }
0xb3: {  	v50 =	vld.idx.msk [tilespmem:v13+s7+$0x0], $0xffff;
	v8 =	vsub.f32 v40, v8;
	v52 =	vadd.f32 $1.500000060e-01, v17;
	v51 =	vmax.f32 v16, $0.0e+00  }
0xb4: {  	v57 =	vld [tilespmem:s12+$0x2060];
	vm9 =	veq.s32 v49, $0x0;
	v54 =	vsub.f32 v44, v10;
	v11 =	vnsel vm8, $0x0, v51  }
0xb5: {  	v55 =	vld.idx.msk [tilespmem:v12+s7+$0x0], $0xffff;
	v8 =	vadd.f32 $1.500000060e-01, v8;
	v56 =	vmax.f32 v52, $0.0e+00;
	v11 =	vadd.f32 v11, v15  }
0xb6: {  	v58 =	vld [tilespmem:s12+$0x2070];
	vm10 =	veq.s32 v14, $0x0;
	v9 =	vsub.f32 v47, v9;
	v12 =	vnsel vm9, $0x0, v56  }
0xb7: {  	v2 =	vld.idx.msk [tilespmem:v48+s7+$0x0], $0xffff;
	v4 =	vadd.f32 $1.500000060e-01, v54;
	v8 =	vmax.f32 v8, $0.0e+00;
	v11 =	vadd.f32 v12, v11  }
0xb8: {  	vm11 =	veq.s32 v3, $0x0;
	v59 =	vsub.f32 v53, v50;
	v8 =	vnsel vm10, $0x0, v8  }
0xb9: {  	v61 =	vadd.f32 $1.500000060e-01, v9;
	v4 =	vmax.f32 v4, $0.0e+00;
	v60 =	vadd.f32 v8, v11  }
0xba: {  	vm12 =	veq.s32 v1, $0x0;
	v62 =	vsub.f32 v57, v55;
	v4 =	vnsel vm11, $0x0, v4  }
0xbb: {  	v3 =	vadd.f32 $1.500000060e-01, v59;
	v63 =	vmax.f32 v61, $0.0e+00;
	v4 =	vadd.f32 v4, v60  }
0xbc: {  	vm13 =	veq.s32 v6, $0x0;
	v2 =	vsub.f32 v58, v2;
	v7 =	vnsel vm12, $0x0, v63  }
0xbd: {  	v1 =	vadd.f32 $1.500000060e-01, v62;
	v3 =	vmax.f32 v3, $0.0e+00;
	v4 =	vadd.f32 v7, v4  }
0xbe: {  	vm14 =	veq.s32 v5, $0x0;
	v3 =	vnsel vm13, $0x0, v3  }
0xbf: {  	v2 =	vadd.f32 $1.500000060e-01, v2;
	v1 =	vmax.f32 v1, $0.0e+00;
	v3 =	vadd.f32 v3, v4  }
0xc0: {  	v0 =	vand.u32 $0x800, v0;
	v1 =	vnsel vm14, $0x0, v1  }
0xc1: {  	vm15 =	veq.s32 v0, $0x0;
	v2 =	vmax.f32 v2, $0.0e+00;
	v1 =	vadd.f32 v1, v3  }
0xc2: {  	v0 =	vnsel vm15, $0x0, v2  }
0xc3: {  	s11 =	sadd.s32 $0x1, s11;
	v0 =	vadd.f32 v0, v1  }
0xc4: {  	p0 =	sne.s32 s11, s6  }
.Ltmp1:
0xc5: {  	[tilespmem:$0x4000] =	vst v0;
	(pc) =	sbr.rel @p0 .LBB2_1-.Ltmp1, $4  }
0xc6: {  	[hbm4b:s5+s2] =	stream.linear.scatter [tilespmem:s9], [sflag:$0x2], $0x10, $0x38;
	[tilespmem:$0x4080] =	vst v63  }
0xc7: {  	_ =	swait.ge [sflag:s10], $0x10  }
0xc8: {  	[sflag:s10] =	ssyncset.done $0x0  }
0xc9: {  	[sflag:s10] =	ssyncadd.s32 $0xFFFFFFF0  }
0xca: {  	_ =	sfence.sel $0x180000  }
0xcb: {  	[bflag:$0x0] =	sbarrier.arrive $0xFFFF  }
0xcc: {  	p0 =	sne.s32 s1, $0x0;
	_ =	strace $0x90000047  }
0xcd: {  	s0 =	sadd.s32 @!p0 $0x100000, s0;
	[bflag:$0x2] =	sbarrier.arrive $0xFFFF  }
0xce: {  	[sflag:s0] =	ssyncadd.tile.s32 @!p0 $0x1;
	_ =	shalt  }
.Lfunc_end2:
_tile_overlayer_lowered:
.L_overlay_start_2:
0xcf: {  	(tag) =	ssettag $0x2  }
0xd0: {  	s0 =	rddreg [dreg:$0x0];
	s2 =	stileid.u32  }
0xd1: {  	s1 =	rddreg [dreg:$0x1];
	p0 =	sne.s32 s2, $0x0  }
0xd2: {  	s3 =	rddreg [dreg:$0x2];
	[bflag:$0x3] =	sbarrier.arrive $0xFFFF;
	s2 =	simm.s32 @!p0 $0x1C02  }
0xd3: {  	[timem:s3], [sflag:s2] =	dma.local @!p0 [hbm:s0], s1  }
0xd4: {  	s0 =	simm.s32 @!p0 $0x2  }
0xd5: {  	_ =	swait.ge @!p0 [sflag:s0], s1  }
0xd6: {  	s1 =	ssub.s32 @!p0 $0x0, s1;
	[sflag:s0] =	ssyncset.done @!p0 $0x0  }
0xd7: {  	[sflag:s0] =	ssyncadd.s32 @!p0 s1  }
0xd8: {  	[bflag:$0x3] =	sbarrier.arrive $0xFFFF  }
0xd9: {  	_ =	shalt  }

</sc_bundles>
